<compile_context>
chip_gen: v7x
topology: tpu7x:2x2x1
jax: 0.10.2.dev20260603
libtpu: 0.0.44.dev20260713+nightly
codegen_flags: <defaults>
</compile_context>

<pallas_src>
import struct

import jax
import jax.numpy as jnp
from jax import lax
from jax.experimental import pallas as pl
from jax.experimental.pallas import tpu as pltpu
from jax.experimental.pallas import tpu_sc as plsc

B = 2048
V = 100
U = 100
THRESH_ENC = struct.unpack("<f", struct.pack("<I", 0x3EFFFFFF))[0]
MASKED_ENC = struct.unpack("<f", struct.pack("<I", 0x3FFFFFFF))[0]

NC = 2
NS = 16
L = 16
NW = NC * NS
GPW = 4
WB = GPW * L
BTILE = 128
VCHUNK = 4
NCHUNK = V // VCHUNK
CR = VCHUNK * U
VPAD = 128
FUSE = 2


def _tec_body(x_hbm, size_hbm, seq_hbm, xbuf, thr, seqbuf, sizebuf,
              sem0, sem1):
    wid = lax.axis_index("s") * NC + lax.axis_index("c")
    blk = (wid // 2) * BTILE
    half = (wid % 2) * WB

    lane = lax.broadcasted_iota(jnp.int32, (L,), 0)
    zero_f = jnp.zeros((L,), jnp.float32)
    zero_i = jnp.zeros((L,), jnp.int32)
    one_i = jnp.ones((L,), jnp.int32)
    thresh_v = jnp.full((L,), THRESH_ENC, jnp.float32)
    masked_v = jnp.full((L,), MASKED_ENC, jnp.float32)
    big_i = jnp.full((L,), 1 << 20, jnp.int32)

    sems = (sem0, sem1)

    def start_copy(c, par):
        for vl in range(VCHUNK):
            pltpu.make_async_copy(
                x_hbm.at[c * VCHUNK + vl, :, pl.ds(blk, BTILE)],
                xbuf.at[pl.ds(par * CR + vl * U, U), :], sems[par]).start()

    def wait_copy(par):
        for vl in range(VCHUNK):
            pltpu.make_async_copy(
                x_hbm.at[0, :, pl.ds(blk, BTILE)],
                xbuf.at[pl.ds(par * CR + vl * U, U), :], sems[par]).wait()

    def thr_reset(u, _):
        for gg in range(GPW):
            thr[u, pl.ds(gg * L, L)] = thresh_v
        return 0
    lax.fori_loop(0, U, thr_reset, 0)
    for gg in range(GPW):
        sizebuf[pl.ds(gg * L, L)] = zero_f

    def process_chunk(c, rbase):
        for p in range(GPW // FUSE):
            gs = tuple(FUSE * p + i for i in range(FUSE))
            offs = [half + g * L for g in gs]
            locs = [lane + g * L for g in gs]

            def v_body(vl, sizes):
                vrow = rbase + vl * U

                def u_body(j, carry):
                    jv = carry[0]
                    st = list(carry[1:])
                    for k in range(4):
                        row = vrow + 4 * j + k
                        for i in range(FUSE):
                            w = xbuf[row, pl.ds(offs[i], L)]
                            tv = thr[4 * j + k, pl.ds(gs[i] * L, L)]
                            idx = 8 * i + 2 * k
                            win = w > jnp.maximum(tv, st[idx])
                            st[idx + 1] = jnp.where(win, jv, st[idx + 1])
                            st[idx] = jnp.where(win, w, st[idx])
                    return (jv + one_i, *st)

                init = (zero_i,) + (zero_f, zero_i) * (4 * FUSE)
                carry = lax.fori_loop(0, U // 4, u_body, init)
                st = carry[1:]
                tcol = jnp.full((L,), c * VCHUNK + vl, jnp.int32)
                out_sizes = []
                for i in range(FUSE):
                    mxs = st[8 * i:8 * i + 8:2]
                    ams = st[8 * i + 1:8 * i + 8:2]
                    m = jnp.maximum(jnp.maximum(mxs[0], mxs[1]),
                                    jnp.maximum(mxs[2], mxs[3]))
                    us = [jnp.where(mxs[k] == m,
                                    ams[k] * 4 + k if k else ams[0] * 4,
                                    big_i)
                          for k in range(4)]
                    am = jnp.minimum(jnp.minimum(us[0], us[1]),
                                     jnp.minimum(us[2], us[3]))
                    pos = m > zero_f
                    sel = jnp.where(pos, am + 1, zero_i)
                    plsc.store_scatter(seqbuf, [locs[i], tcol], sel)
                    plsc.store_scatter(thr, [am, locs[i]], masked_v,
                                       mask=pos)
                    out_sizes.append(sizes[i] + m)
                return tuple(out_sizes)

            sz = tuple(sizebuf[pl.ds(g * L, L)] for g in gs)
            sz = lax.fori_loop(0, VCHUNK, v_body, sz)
            for i, g in enumerate(gs):
                sizebuf[pl.ds(g * L, L)] = sz[i]

    start_copy(0, 0)

    def outer(c, _):
        even = (c % 2) == 0

        @pl.when(even)
        def _():
            @pl.when(c + 1 < NCHUNK)
            def _():
                start_copy(c + 1, 1)
            wait_copy(0)

        @pl.when(jnp.logical_not(even))
        def _():
            @pl.when(c + 1 < NCHUNK)
            def _():
                start_copy(c + 1, 0)
            wait_copy(1)

        process_chunk(c, (c % 2) * CR)
        return 0

    lax.fori_loop(0, NCHUNK, outer, 0)

    for gg in range(GPW):
        b0 = blk + half + gg * L
        sz = sizebuf[pl.ds(gg * L, L)]
        sizebuf[pl.ds(gg * L, L)] = zero_f - sz
        pltpu.sync_copy(seqbuf.at[pl.ds(gg * L, L), :],
                        seq_hbm.at[pl.ds(b0, L), :])
    pltpu.sync_copy(sizebuf, size_hbm.at[wid])


@jax.jit
def kernel(x):
    xt = jnp.transpose(x, (1, 2, 0))
    mesh = plsc.VectorSubcoreMesh(core_axis_name="c", subcore_axis_name="s",
                                  num_cores=NC, num_subcores=NS)
    run = pl.kernel(
        _tec_body,
        out_type=(
            jax.ShapeDtypeStruct((NW, WB), jnp.float32),
            jax.ShapeDtypeStruct((B, VPAD), jnp.int32),
        ),
        mesh=mesh,
        scratch_types=[
            pltpu.VMEM((2 * CR, BTILE), jnp.float32),
            pltpu.VMEM((U, BTILE), jnp.float32),
            pltpu.VMEM((WB, VPAD), jnp.int32),
            pltpu.VMEM((WB,), jnp.float32),
            pltpu.SemaphoreType.DMA,
            pltpu.SemaphoreType.DMA,
        ],
        compiler_params=pltpu.CompilerParams(needs_layout_passes=False),
        name="greedy_thresh_sc",
    )
    neg_size, seq = run(xt)
    return (neg_size.reshape(B), seq[:, :V])

# --- scband reference (transcript-rebuilt; emitter-appended) ---
"""Pipeline reference for scband-greedy-thresh-46076409152206 (READ-ONLY COPY).

The authoritative reference and input builder live on the scoring server;
editing this copy changes nothing except your own understanding.
"""

import jax, jax.numpy as jnp
import numpy as np

BATCH = 2048
U_SIZE = 100
V_SIZE = 100
BEST_T = 0.5  # emulates get_best_t('greedy-t', opts)


def setup_inputs(seed: int = 0) -> dict:
    key = jax.random.key(seed)
    # x: edge weights between each arriving v-node and the u_size fixed nodes
    x = jax.random.uniform(key, (BATCH, V_SIZE, U_SIZE), dtype=jnp.float32)
    return {"x": x}


def _forward(x):
    b, v_size, u = x.shape
    t = BEST_T
    # column 0 is the 'skip' action with weight 0 (as in problem.make_state)
    w_all = jnp.concatenate([jnp.zeros((b, v_size, 1), x.dtype), x], axis=2)
    ws = jnp.transpose(w_all, (1, 0, 2))  # [v_size, batch, u+1]

    def step(carry, w_t):
        matched, size = carry
        # mask: already-matched u nodes (skip col never masked)
        w = jnp.where(matched, 0.0, w_t)
        # greedy threshold: zero out weights below t
        w = jnp.where(w < t, 0.0, w)
        # if no admissible edge remains, force the skip action
        all_zero = (w.sum(axis=1) == 0)
        col0 = jnp.where(all_zero, 1.0, w[:, 0])
        w = jnp.concatenate([col0[:, None], w[:, 1:]], axis=1)
        sel = jnp.argmax(w, axis=1)
        gain = jnp.take_along_axis(w_t, sel[:, None], axis=1)[:, 0]
        gain = jnp.where(sel == 0, 0.0, gain)
        hit = (jnp.arange(w_t.shape[1])[None, :] == sel[:, None]) & (sel != 0)[:, None]
        matched = matched | hit
        return (matched, size + gain), sel

    matched0 = jnp.zeros((b, u + 1), dtype=bool)
    size0 = jnp.zeros((b,), dtype=x.dtype)
    (matched, size), sels = jax.lax.scan(step, (matched0, size0), ws)
    sequences = jnp.transpose(sels, (1, 0))  # [batch, v_size]
    return -size, sequences


def reference(x):
    neg_size, sequences = _forward(x)
    # mirrors `return (-state.size, torch.stack(sequences, 1), None)`
    return (neg_size, sequences)

if __name__ == "__main__":
    import jax
    _d = setup_inputs()
    print(jax.jit(kernel)(*tuple(_d.values())))

</pallas_src>

<mosaic_0001>
#map = affine_map<(d0, d1) -> (0, 0, 0)>
#map1 = affine_map<(d0, d1) -> (0, 0)>
module attributes {stable_mosaic.version = 14 : i64} {
  func.func @greedy_thresh_sc(%arg0: i32, %arg1: i32, %arg2: memref<100x100x2048xf32, #tpu.memory_space<hbm>>, %arg3: memref<32x64xf32, #tpu.memory_space<hbm>>, %arg4: memref<2048x128xi32, #tpu.memory_space<hbm>>, %arg5: memref<800x128xf32, #tpu.memory_space<vmem>>, %arg6: memref<100x128xf32, #tpu.memory_space<vmem>>, %arg7: memref<64x128xi32, #tpu.memory_space<vmem>>, %arg8: memref<64xf32, #tpu.memory_space<vmem>>, %arg9: memref<!tpu.dma_semaphore, #tpu.memory_space<semaphore_mem>>, %arg10: memref<!tpu.dma_semaphore, #tpu.memory_space<semaphore_mem>>) attributes {dimension_semantics = [#tpu.dimension_semantics<core_parallel>, #tpu.dimension_semantics<subcore_parallel>], iteration_bounds = array<i64: 2, 16>, scalar_prefetch = 0 : i64, scratch_operands = 6 : i64, tpu.core_type = #tpu.core_type<sc_vector_subcore>, window_params = [{transform_indices = #map}, {transform_indices = #map1}, {transform_indices = #map1}]} {
    %mul3A = arith.constant 2 : i32
    %mul3A_0 = arith.muli %arg1, %mul3A : i32
    %add3A = arith.addi %mul3A_0, %arg0 : i32
    %jit3A = arith.constant 2 : i32
    %div3A = arith.divsi %add3A, %jit3A : i32
    %sign3A = arith.constant 0 : i32
    %sign3A_1 = arith.cmpi sgt, %add3A, %sign3A : i32
    %sign3A_2 = arith.extui %sign3A_1 : i1 to i32
    %sign3A_3 = arith.constant 0 : i32
    %sign3A_4 = arith.cmpi slt, %add3A, %sign3A_3 : i32
    %sign3A_5 = arith.extui %sign3A_4 : i1 to i32
    %sign3A_6 = arith.subi %sign3A_2, %sign3A_5 : i32
    %sign3A_7 = arith.constant 0 : i32
    %sign3A_8 = arith.cmpi sgt, %jit3A, %sign3A_7 : i32
    %sign3A_9 = arith.extui %sign3A_8 : i1 to i32
    %sign3A_10 = arith.constant 0 : i32
    %sign3A_11 = arith.cmpi slt, %jit3A, %sign3A_10 : i32
    %sign3A_12 = arith.extui %sign3A_11 : i1 to i32
    %sign3A_13 = arith.subi %sign3A_9, %sign3A_12 : i32
    %ne3A = arith.cmpi ne, %sign3A_6, %sign3A_13 : i32
    %rem3A = arith.remsi %add3A, %jit3A : i32
    %ne3A_14 = arith.constant 0 : i32
    %ne3A_15 = arith.cmpi ne, %rem3A, %ne3A_14 : i32
    %and3A = arith.andi %ne3A, %ne3A_15 : i1
    %sub3A = arith.constant 1 : i32
    %sub3A_16 = arith.subi %div3A, %sub3A : i32
    %select_n3A = arith.select %and3A, %sub3A_16, %div3A : i32
    %mul3A_17 = arith.constant 128 : i32
    %mul3A_18 = arith.muli %select_n3A, %mul3A_17 : i32
    %jit3A_19 = arith.constant 2 : i32
    %eq3A = arith.constant 0 : i32
    %eq3A_20 = arith.cmpi eq, %jit3A_19, %eq3A : i32
    %jit3A_21 = arith.constant 1 : i32
    %select_n3A_22 = arith.select %eq3A_20, %jit3A_21, %jit3A_19 : i32
    %rem3A_23 = arith.remsi %add3A, %select_n3A_22 : i32
    %ne3A_24 = arith.constant 0 : i32
    %ne3A_25 = arith.cmpi ne, %rem3A_23, %ne3A_24 : i32
    %lt3A = arith.constant 0 : i32
    %lt3A_26 = arith.cmpi slt, %rem3A_23, %lt3A : i32
    %lt3A_27 = arith.constant 0 : i32
    %lt3A_28 = arith.cmpi slt, %select_n3A_22, %lt3A_27 : i32
    %ne3A_29 = arith.xori %lt3A_26, %lt3A_28 : i1
    %and3A_30 = arith.andi %ne3A_29, %ne3A_25 : i1
    %add3A_31 = arith.addi %rem3A_23, %select_n3A_22 : i32
    %select_n3A_32 = arith.select %and3A_30, %add3A_31, %rem3A_23 : i32
    %mul3A_33 = arith.constant 64 : i32
    %mul3A_34 = arith.muli %select_n3A_32, %mul3A_33 : i32
    %iota3A = tpu.iota {dimensions = array<i32: 0>} : vector<16xi32>
    %broadcast_in_dim3A = arith.constant 0.000000e+00 : f32
    %broadcast_in_dim3A_35 = vector.broadcast %broadcast_in_dim3A : f32 to vector<16xf32>
    %broadcast_in_dim3A_36 = arith.constant 0 : i32
    %broadcast_in_dim3A_37 = vector.broadcast %broadcast_in_dim3A_36 : i32 to vector<16xi32>
    %broadcast_in_dim3A_38 = arith.constant 1 : i32
    %broadcast_in_dim3A_39 = vector.broadcast %broadcast_in_dim3A_38 : i32 to vector<16xi32>
    %broadcast_in_dim3A_40 = arith.constant 0.49999997 : f32
    %broadcast_in_dim3A_41 = vector.broadcast %broadcast_in_dim3A_40 : f32 to vector<16xf32>
    %broadcast_in_dim3A_42 = arith.constant 1.99999988 : f32
    %broadcast_in_dim3A_43 = vector.broadcast %broadcast_in_dim3A_42 : f32 to vector<16xf32>
    %broadcast_in_dim3A_44 = arith.constant 1048576 : i32
    %broadcast_in_dim3A_45 = vector.broadcast %broadcast_in_dim3A_44 : i32 to vector<16xi32>
    %scan3A = arith.constant 0 : i32
    %scan3A_46 = arith.constant 0 : i32
    %scan3A_47 = arith.constant 100 : i32
    %scan3A_48 = arith.addi %scan3A_46, %scan3A_47 : i32
    %scan3A_49 = arith.constant 1 : i32
    %scan3A_50 = scf.for %scan3A_148 = %scan3A_46 to %scan3A_48 step %scan3A_49 iter_args(%scan3A_149 = %scan3A) -> (i32)  : i32 {
      %swap3A_150 = arith.index_cast %scan3A_148 : i32 to index
      %swap3A_151 = arith.constant 0 : index
      %swap3A_152 = tpu.vector_load %arg6[%swap3A_150, %swap3A_151] {strides = array<i32>} : memref<100x128xf32, #tpu.memory_space<vmem>>, vector<16xf32>,
      tpu.vector_store %arg6[%swap3A_150, %swap3A_151], %broadcast_in_dim3A_41 {strides = array<i32>} : memref<100x128xf32, #tpu.memory_space<vmem>>, vector<16xf32>,
      %swap3A_153 = arith.index_cast %scan3A_148 : i32 to index
      %swap3A_154 = arith.constant 16 : index
      %swap3A_155 = tpu.vector_load %arg6[%swap3A_153, %swap3A_154] {strides = array<i32>} : memref<100x128xf32, #tpu.memory_space<vmem>>, vector<16xf32>,
      tpu.vector_store %arg6[%swap3A_153, %swap3A_154], %broadcast_in_dim3A_41 {strides = array<i32>} : memref<100x128xf32, #tpu.memory_space<vmem>>, vector<16xf32>,
      %swap3A_156 = arith.index_cast %scan3A_148 : i32 to index
      %swap3A_157 = arith.constant 32 : index
      %swap3A_158 = tpu.vector_load %arg6[%swap3A_156, %swap3A_157] {strides = array<i32>} : memref<100x128xf32, #tpu.memory_space<vmem>>, vector<16xf32>,
      tpu.vector_store %arg6[%swap3A_156, %swap3A_157], %broadcast_in_dim3A_41 {strides = array<i32>} : memref<100x128xf32, #tpu.memory_space<vmem>>, vector<16xf32>,
      %swap3A_159 = arith.index_cast %scan3A_148 : i32 to index
      %swap3A_160 = arith.constant 48 : index
      %swap3A_161 = tpu.vector_load %arg6[%swap3A_159, %swap3A_160] {strides = array<i32>} : memref<100x128xf32, #tpu.memory_space<vmem>>, vector<16xf32>,
      tpu.vector_store %arg6[%swap3A_159, %swap3A_160], %broadcast_in_dim3A_41 {strides = array<i32>} : memref<100x128xf32, #tpu.memory_space<vmem>>, vector<16xf32>,
      %scan3A_162 = arith.constant 0 : i32
      scf.yield %scan3A_162 : i32
    }
    %scan3A_51 = arith.constant 100 : i32
    %swap3A = arith.constant 0 : index
    %swap3A_52 = tpu.vector_load %arg8[%swap3A] {strides = array<i32>} : memref<64xf32, #tpu.memory_space<vmem>>, vector<16xf32>,
    tpu.vector_store %arg8[%swap3A], %broadcast_in_dim3A_35 {strides = array<i32>} : memref<64xf32, #tpu.memory_space<vmem>>, vector<16xf32>,
    %swap3A_53 = arith.constant 16 : index
    %swap3A_54 = tpu.vector_load %arg8[%swap3A_53] {strides = array<i32>} : memref<64xf32, #tpu.memory_space<vmem>>, vector<16xf32>,
    tpu.vector_store %arg8[%swap3A_53], %broadcast_in_dim3A_35 {strides = array<i32>} : memref<64xf32, #tpu.memory_space<vmem>>, vector<16xf32>,
    %swap3A_55 = arith.constant 32 : index
    %swap3A_56 = tpu.vector_load %arg8[%swap3A_55] {strides = array<i32>} : memref<64xf32, #tpu.memory_space<vmem>>, vector<16xf32>,
    tpu.vector_store %arg8[%swap3A_55], %broadcast_in_dim3A_35 {strides = array<i32>} : memref<64xf32, #tpu.memory_space<vmem>>, vector<16xf32>,
    %swap3A_57 = arith.constant 48 : index
    %swap3A_58 = tpu.vector_load %arg8[%swap3A_57] {strides = array<i32>} : memref<64xf32, #tpu.memory_space<vmem>>, vector<16xf32>,
    tpu.vector_store %arg8[%swap3A_57], %broadcast_in_dim3A_35 {strides = array<i32>} : memref<64xf32, #tpu.memory_space<vmem>>, vector<16xf32>,
    %dma_start3A = arith.constant 0 : i32
    %dma_start3A_59 = arith.constant 0 : i32
    %dma_start3A_60 = arith.constant 0 : i32
    %dma_start3A_61 = tpu.memref_slice %arg5[%dma_start3A_59, %dma_start3A_60] : memref<800x128xf32, #tpu.memory_space<vmem>> -> memref<100x128xf32, #tpu.memory_space<vmem>>
    %dma_start3A_62 = arith.constant 0 : i32
    %dma_start3A_63 = tpu.memref_slice %arg2[%dma_start3A, %dma_start3A_62, %mul3A_18] : memref<100x100x2048xf32, #tpu.memory_space<hbm>> -> memref<1x100x128xf32, #tpu.memory_space<hbm>>
    %dma_start3A_64 = tpu.memref_squeeze %dma_start3A_63 : memref<1x100x128xf32, #tpu.memory_space<hbm>> -> memref<100x128xf32, #tpu.memory_space<hbm>>
    %dma_start3A_65 = arith.constant 0 : i32
    %dma_start3A_66 = arith.constant 0 : i32
    %dma_start3A_67 = tpu.memref_slice %arg5[%dma_start3A_65, %dma_start3A_66] : memref<800x128xf32, #tpu.memory_space<vmem>> -> memref<100x128xf32, #tpu.memory_space<vmem>>
    %dma_start3A_68 = arith.constant 0 : i32
    %dma_start3A_69 = tpu.memref_slice %arg2[%dma_start3A, %dma_start3A_68, %mul3A_18] : memref<100x100x2048xf32, #tpu.memory_space<hbm>> -> memref<1x100x128xf32, #tpu.memory_space<hbm>>
    %dma_start3A_70 = tpu.memref_squeeze %dma_start3A_69 : memref<1x100x128xf32, #tpu.memory_space<hbm>> -> memref<100x128xf32, #tpu.memory_space<hbm>>
    tpu.enqueue_dma source(%dma_start3A_70 : memref<100x128xf32, #tpu.memory_space<hbm>>) target(%dma_start3A_67 : memref<100x128xf32, #tpu.memory_space<vmem>>) target_semaphore(%arg9 : memref<!tpu.dma_semaphore, #tpu.memory_space<semaphore_mem>>)
    %dma_start3A_71 = arith.constant 1 : i32
    %dma_start3A_72 = arith.constant 100 : i32
    %dma_start3A_73 = arith.constant 0 : i32
    %dma_start3A_74 = tpu.memref_slice %arg5[%dma_start3A_72, %dma_start3A_73] : memref<800x128xf32, #tpu.memory_space<vmem>> -> memref<100x128xf32, #tpu.memory_space<vmem>>
    %dma_start3A_75 = arith.constant 0 : i32
    %dma_start3A_76 = tpu.memref_slice %arg2[%dma_start3A_71, %dma_start3A_75, %mul3A_18] : memref<100x100x2048xf32, #tpu.memory_space<hbm>> -> memref<1x100x128xf32, #tpu.memory_space<hbm>>
    %dma_start3A_77 = tpu.memref_squeeze %dma_start3A_76 : memref<1x100x128xf32, #tpu.memory_space<hbm>> -> memref<100x128xf32, #tpu.memory_space<hbm>>
    %dma_start3A_78 = arith.constant 100 : i32
    %dma_start3A_79 = arith.constant 0 : i32
    %dma_start3A_80 = tpu.memref_slice %arg5[%dma_start3A_78, %dma_start3A_79] : memref<800x128xf32, #tpu.memory_space<vmem>> -> memref<100x128xf32, #tpu.memory_space<vmem>>
    %dma_start3A_81 = arith.constant 0 : i32
    %dma_start3A_82 = tpu.memref_slice %arg2[%dma_start3A_71, %dma_start3A_81, %mul3A_18] : memref<100x100x2048xf32, #tpu.memory_space<hbm>> -> memref<1x100x128xf32, #tpu.memory_space<hbm>>
    %dma_start3A_83 = tpu.memref_squeeze %dma_start3A_82 : memref<1x100x128xf32, #tpu.memory_space<hbm>> -> memref<100x128xf32, #tpu.memory_space<hbm>>
    tpu.enqueue_dma source(%dma_start3A_83 : memref<100x128xf32, #tpu.memory_space<hbm>>) target(%dma_start3A_80 : memref<100x128xf32, #tpu.memory_space<vmem>>) target_semaphore(%arg9 : memref<!tpu.dma_semaphore, #tpu.memory_space<semaphore_mem>>)
    %dma_start3A_84 = arith.constant 2 : i32
    %dma_start3A_85 = arith.constant 200 : i32
    %dma_start3A_86 = arith.constant 0 : i32
    %dma_start3A_87 = tpu.memref_slice %arg5[%dma_start3A_85, %dma_start3A_86] : memref<800x128xf32, #tpu.memory_space<vmem>> -> memref<100x128xf32, #tpu.memory_space<vmem>>
    %dma_start3A_88 = arith.constant 0 : i32
    %dma_start3A_89 = tpu.memref_slice %arg2[%dma_start3A_84, %dma_start3A_88, %mul3A_18] : memref<100x100x2048xf32, #tpu.memory_space<hbm>> -> memref<1x100x128xf32, #tpu.memory_space<hbm>>
    %dma_start3A_90 = tpu.memref_squeeze %dma_start3A_89 : memref<1x100x128xf32, #tpu.memory_space<hbm>> -> memref<100x128xf32, #tpu.memory_space<hbm>>
    %dma_start3A_91 = arith.constant 200 : i32
    %dma_start3A_92 = arith.constant 0 : i32
    %dma_start3A_93 = tpu.memref_slice %arg5[%dma_start3A_91, %dma_start3A_92] : memref<800x128xf32, #tpu.memory_space<vmem>> -> memref<100x128xf32, #tpu.memory_space<vmem>>
    %dma_start3A_94 = arith.constant 0 : i32
    %dma_start3A_95 = tpu.memref_slice %arg2[%dma_start3A_84, %dma_start3A_94, %mul3A_18] : memref<100x100x2048xf32, #tpu.memory_space<hbm>> -> memref<1x100x128xf32, #tpu.memory_space<hbm>>
    %dma_start3A_96 = tpu.memref_squeeze %dma_start3A_95 : memref<1x100x128xf32, #tpu.memory_space<hbm>> -> memref<100x128xf32, #tpu.memory_space<hbm>>
    tpu.enqueue_dma source(%dma_start3A_96 : memref<100x128xf32, #tpu.memory_space<hbm>>) target(%dma_start3A_93 : memref<100x128xf32, #tpu.memory_space<vmem>>) target_semaphore(%arg9 : memref<!tpu.dma_semaphore, #tpu.memory_space<semaphore_mem>>)
    %dma_start3A_97 = arith.constant 3 : i32
    %dma_start3A_98 = arith.constant 300 : i32
    %dma_start3A_99 = arith.constant 0 : i32
    %dma_start3A_100 = tpu.memref_slice %arg5[%dma_start3A_98, %dma_start3A_99] : memref<800x128xf32, #tpu.memory_space<vmem>> -> memref<100x128xf32, #tpu.memory_space<vmem>>
    %dma_start3A_101 = arith.constant 0 : i32
    %dma_start3A_102 = tpu.memref_slice %arg2[%dma_start3A_97, %dma_start3A_101, %mul3A_18] : memref<100x100x2048xf32, #tpu.memory_space<hbm>> -> memref<1x100x128xf32, #tpu.memory_space<hbm>>
    %dma_start3A_103 = tpu.memref_squeeze %dma_start3A_102 : memref<1x100x128xf32, #tpu.memory_space<hbm>> -> memref<100x128xf32, #tpu.memory_space<hbm>>
    %dma_start3A_104 = arith.constant 300 : i32
    %dma_start3A_105 = arith.constant 0 : i32
    %dma_start3A_106 = tpu.memref_slice %arg5[%dma_start3A_104, %dma_start3A_105] : memref<800x128xf32, #tpu.memory_space<vmem>> -> memref<100x128xf32, #tpu.memory_space<vmem>>
    %dma_start3A_107 = arith.constant 0 : i32
    %dma_start3A_108 = tpu.memref_slice %arg2[%dma_start3A_97, %dma_start3A_107, %mul3A_18] : memref<100x100x2048xf32, #tpu.memory_space<hbm>> -> memref<1x100x128xf32, #tpu.memory_space<hbm>>
    %dma_start3A_109 = tpu.memref_squeeze %dma_start3A_108 : memref<1x100x128xf32, #tpu.memory_space<hbm>> -> memref<100x128xf32, #tpu.memory_space<hbm>>
    tpu.enqueue_dma source(%dma_start3A_109 : memref<100x128xf32, #tpu.memory_space<hbm>>) target(%dma_start3A_106 : memref<100x128xf32, #tpu.memory_space<vmem>>) target_semaphore(%arg9 : memref<!tpu.dma_semaphore, #tpu.memory_space<semaphore_mem>>)
    %scan3A_110 = arith.constant 0 : i32
    %scan3A_111 = arith.constant 0 : i32
    %scan3A_112 = arith.constant 25 : i32
    %scan3A_113 = arith.addi %scan3A_111, %scan3A_112 : i32
    %scan3A_114 = arith.constant 1 : i32
    %scan3A_115 = scf.for %scan3A_148 = %scan3A_111 to %scan3A_113 step %scan3A_114 iter_args(%scan3A_149 = %scan3A_110) -> (i32)  : i32 {
      %jit3A_150 = arith.constant 2 : i32
      %eq3A_151 = arith.constant 0 : i32
      %eq3A_152 = arith.cmpi eq, %jit3A_150, %eq3A_151 : i32
      %jit3A_153 = arith.constant 1 : i32
      %select_n3A_154 = arith.select %eq3A_152, %jit3A_153, %jit3A_150 : i32
      %rem3A_155 = arith.remsi %scan3A_148, %select_n3A_154 : i32
      %ne3A_156 = arith.constant 0 : i32
      %ne3A_157 = arith.cmpi ne, %rem3A_155, %ne3A_156 : i32
      %lt3A_158 = arith.constant 0 : i32
      %lt3A_159 = arith.cmpi slt, %rem3A_155, %lt3A_158 : i32
      %lt3A_160 = arith.constant 0 : i32
      %lt3A_161 = arith.cmpi slt, %select_n3A_154, %lt3A_160 : i32
      %ne3A_162 = arith.xori %lt3A_159, %lt3A_161 : i1
      %and3A_163 = arith.andi %ne3A_162, %ne3A_157 : i1
      %add3A_164 = arith.addi %rem3A_155, %select_n3A_154 : i32
      %select_n3A_165 = arith.select %and3A_163, %add3A_164, %rem3A_155 : i32
      %eq3A_166 = arith.constant 0 : i32
      %eq3A_167 = arith.cmpi eq, %select_n3A_165, %eq3A_166 : i32
      %convert_element_type3A = arith.extui %eq3A_167 : i1 to i32
      %cond3A = arith.constant 0 : i32
      %cond3A_168 = arith.cmpi ne, %convert_element_type3A, %cond3A : i32
      scf.if %cond3A_168 {
        %add3A_240 = arith.constant 1 : i32
        %add3A_241 = arith.addi %scan3A_148, %add3A_240 : i32
        %lt3A_242 = arith.constant 25 : i32
        %lt3A_243 = arith.cmpi slt, %add3A_241, %lt3A_242 : i32
        %convert_element_type3A_244 = arith.extui %lt3A_243 : i1 to i32
        %cond3A_245 = arith.constant 0 : i32
        %cond3A_246 = arith.cmpi ne, %convert_element_type3A_244, %cond3A_245 : i32
        scf.if %cond3A_246 {
          %add3A_298 = arith.constant 1 : i32
          %add3A_299 = arith.addi %scan3A_148, %add3A_298 : i32
          %mul3A_300 = arith.constant 4 : i32
          %mul3A_301 = arith.muli %add3A_299, %mul3A_300 : i32
          %add3A_302 = arith.constant 0 : i32
          %add3A_303 = arith.addi %mul3A_301, %add3A_302 : i32
          %dma_start3A_304 = arith.constant 400 : i32
          %dma_start3A_305 = arith.constant 0 : i32
          %dma_start3A_306 = tpu.memref_slice %arg5[%dma_start3A_304, %dma_start3A_305] : memref<800x128xf32, #tpu.memory_space<vmem>> -> memref<100x128xf32, #tpu.memory_space<vmem>>
          %dma_start3A_307 = arith.constant 0 : i32
          %dma_start3A_308 = tpu.memref_slice %arg2[%add3A_303, %dma_start3A_307, %mul3A_18] : memref<100x100x2048xf32, #tpu.memory_space<hbm>> -> memref<1x100x128xf32, #tpu.memory_space<hbm>>
          %dma_start3A_309 = tpu.memref_squeeze %dma_start3A_308 : memref<1x100x128xf32, #tpu.memory_space<hbm>> -> memref<100x128xf32, #tpu.memory_space<hbm>>
          %dma_start3A_310 = arith.constant 400 : i32
          %dma_start3A_311 = arith.constant 0 : i32
          %dma_start3A_312 = tpu.memref_slice %arg5[%dma_start3A_310, %dma_start3A_311] : memref<800x128xf32, #tpu.memory_space<vmem>> -> memref<100x128xf32, #tpu.memory_space<vmem>>
          %dma_start3A_313 = arith.constant 0 : i32
          %dma_start3A_314 = tpu.memref_slice %arg2[%add3A_303, %dma_start3A_313, %mul3A_18] : memref<100x100x2048xf32, #tpu.memory_space<hbm>> -> memref<1x100x128xf32, #tpu.memory_space<hbm>>
          %dma_start3A_315 = tpu.memref_squeeze %dma_start3A_314 : memref<1x100x128xf32, #tpu.memory_space<hbm>> -> memref<100x128xf32, #tpu.memory_space<hbm>>
          tpu.enqueue_dma source(%dma_start3A_315 : memref<100x128xf32, #tpu.memory_space<hbm>>) target(%dma_start3A_312 : memref<100x128xf32, #tpu.memory_space<vmem>>) target_semaphore(%arg10 : memref<!tpu.dma_semaphore, #tpu.memory_space<semaphore_mem>>)
          %mul3A_316 = arith.constant 4 : i32
          %mul3A_317 = arith.muli %add3A_299, %mul3A_316 : i32
          %add3A_318 = arith.constant 1 : i32
          %add3A_319 = arith.addi %mul3A_317, %add3A_318 : i32
          %dma_start3A_320 = arith.constant 500 : i32
          %dma_start3A_321 = arith.constant 0 : i32
          %dma_start3A_322 = tpu.memref_slice %arg5[%dma_start3A_320, %dma_start3A_321] : memref<800x128xf32, #tpu.memory_space<vmem>> -> memref<100x128xf32, #tpu.memory_space<vmem>>
          %dma_start3A_323 = arith.constant 0 : i32
          %dma_start3A_324 = tpu.memref_slice %arg2[%add3A_319, %dma_start3A_323, %mul3A_18] : memref<100x100x2048xf32, #tpu.memory_space<hbm>> -> memref<1x100x128xf32, #tpu.memory_space<hbm>>
          %dma_start3A_325 = tpu.memref_squeeze %dma_start3A_324 : memref<1x100x128xf32, #tpu.memory_space<hbm>> -> memref<100x128xf32, #tpu.memory_space<hbm>>
          %dma_start3A_326 = arith.constant 500 : i32
          %dma_start3A_327 = arith.constant 0 : i32
          %dma_start3A_328 = tpu.memref_slice %arg5[%dma_start3A_326, %dma_start3A_327] : memref<800x128xf32, #tpu.memory_space<vmem>> -> memref<100x128xf32, #tpu.memory_space<vmem>>
          %dma_start3A_329 = arith.constant 0 : i32
          %dma_start3A_330 = tpu.memref_slice %arg2[%add3A_319, %dma_start3A_329, %mul3A_18] : memref<100x100x2048xf32, #tpu.memory_space<hbm>> -> memref<1x100x128xf32, #tpu.memory_space<hbm>>
          %dma_start3A_331 = tpu.memref_squeeze %dma_start3A_330 : memref<1x100x128xf32, #tpu.memory_space<hbm>> -> memref<100x128xf32, #tpu.memory_space<hbm>>
          tpu.enqueue_dma source(%dma_start3A_331 : memref<100x128xf32, #tpu.memory_space<hbm>>) target(%dma_start3A_328 : memref<100x128xf32, #tpu.memory_space<vmem>>) target_semaphore(%arg10 : memref<!tpu.dma_semaphore, #tpu.memory_space<semaphore_mem>>)
          %mul3A_332 = arith.constant 4 : i32
          %mul3A_333 = arith.muli %add3A_299, %mul3A_332 : i32
          %add3A_334 = arith.constant 2 : i32
          %add3A_335 = arith.addi %mul3A_333, %add3A_334 : i32
          %dma_start3A_336 = arith.constant 600 : i32
          %dma_start3A_337 = arith.constant 0 : i32
          %dma_start3A_338 = tpu.memref_slice %arg5[%dma_start3A_336, %dma_start3A_337] : memref<800x128xf32, #tpu.memory_space<vmem>> -> memref<100x128xf32, #tpu.memory_space<vmem>>
          %dma_start3A_339 = arith.constant 0 : i32
          %dma_start3A_340 = tpu.memref_slice %arg2[%add3A_335, %dma_start3A_339, %mul3A_18] : memref<100x100x2048xf32, #tpu.memory_space<hbm>> -> memref<1x100x128xf32, #tpu.memory_space<hbm>>
          %dma_start3A_341 = tpu.memref_squeeze %dma_start3A_340 : memref<1x100x128xf32, #tpu.memory_space<hbm>> -> memref<100x128xf32, #tpu.memory_space<hbm>>
          %dma_start3A_342 = arith.constant 600 : i32
          %dma_start3A_343 = arith.constant 0 : i32
          %dma_start3A_344 = tpu.memref_slice %arg5[%dma_start3A_342, %dma_start3A_343] : memref<800x128xf32, #tpu.memory_space<vmem>> -> memref<100x128xf32, #tpu.memory_space<vmem>>
          %dma_start3A_345 = arith.constant 0 : i32
          %dma_start3A_346 = tpu.memref_slice %arg2[%add3A_335, %dma_start3A_345, %mul3A_18] : memref<100x100x2048xf32, #tpu.memory_space<hbm>> -> memref<1x100x128xf32, #tpu.memory_space<hbm>>
          %dma_start3A_347 = tpu.memref_squeeze %dma_start3A_346 : memref<1x100x128xf32, #tpu.memory_space<hbm>> -> memref<100x128xf32, #tpu.memory_space<hbm>>
          tpu.enqueue_dma source(%dma_start3A_347 : memref<100x128xf32, #tpu.memory_space<hbm>>) target(%dma_start3A_344 : memref<100x128xf32, #tpu.memory_space<vmem>>) target_semaphore(%arg10 : memref<!tpu.dma_semaphore, #tpu.memory_space<semaphore_mem>>)
          %mul3A_348 = arith.constant 4 : i32
          %mul3A_349 = arith.muli %add3A_299, %mul3A_348 : i32
          %add3A_350 = arith.constant 3 : i32
          %add3A_351 = arith.addi %mul3A_349, %add3A_350 : i32
          %dma_start3A_352 = arith.constant 700 : i32
          %dma_start3A_353 = arith.constant 0 : i32
          %dma_start3A_354 = tpu.memref_slice %arg5[%dma_start3A_352, %dma_start3A_353] : memref<800x128xf32, #tpu.memory_space<vmem>> -> memref<100x128xf32, #tpu.memory_space<vmem>>
          %dma_start3A_355 = arith.constant 0 : i32
          %dma_start3A_356 = tpu.memref_slice %arg2[%add3A_351, %dma_start3A_355, %mul3A_18] : memref<100x100x2048xf32, #tpu.memory_space<hbm>> -> memref<1x100x128xf32, #tpu.memory_space<hbm>>
          %dma_start3A_357 = tpu.memref_squeeze %dma_start3A_356 : memref<1x100x128xf32, #tpu.memory_space<hbm>> -> memref<100x128xf32, #tpu.memory_space<hbm>>
          %dma_start3A_358 = arith.constant 700 : i32
          %dma_start3A_359 = arith.constant 0 : i32
          %dma_start3A_360 = tpu.memref_slice %arg5[%dma_start3A_358, %dma_start3A_359] : memref<800x128xf32, #tpu.memory_space<vmem>> -> memref<100x128xf32, #tpu.memory_space<vmem>>
          %dma_start3A_361 = arith.constant 0 : i32
          %dma_start3A_362 = tpu.memref_slice %arg2[%add3A_351, %dma_start3A_361, %mul3A_18] : memref<100x100x2048xf32, #tpu.memory_space<hbm>> -> memref<1x100x128xf32, #tpu.memory_space<hbm>>
          %dma_start3A_363 = tpu.memref_squeeze %dma_start3A_362 : memref<1x100x128xf32, #tpu.memory_space<hbm>> -> memref<100x128xf32, #tpu.memory_space<hbm>>
          tpu.enqueue_dma source(%dma_start3A_363 : memref<100x128xf32, #tpu.memory_space<hbm>>) target(%dma_start3A_360 : memref<100x128xf32, #tpu.memory_space<vmem>>) target_semaphore(%arg10 : memref<!tpu.dma_semaphore, #tpu.memory_space<semaphore_mem>>)
        } else {
        }
        %dma_wait3A = arith.constant 0 : i32
        %dma_wait3A_247 = arith.constant 0 : i32
        %dma_wait3A_248 = arith.constant 0 : i32
        %dma_wait3A_249 = tpu.memref_slice %arg5[%dma_wait3A_247, %dma_wait3A_248] : memref<800x128xf32, #tpu.memory_space<vmem>> -> memref<100x128xf32, #tpu.memory_space<vmem>>
        %dma_wait3A_250 = arith.constant 0 : i32
        %dma_wait3A_251 = tpu.memref_slice %arg2[%dma_wait3A, %dma_wait3A_250, %mul3A_18] : memref<100x100x2048xf32, #tpu.memory_space<hbm>> -> memref<1x100x128xf32, #tpu.memory_space<hbm>>
        %dma_wait3A_252 = tpu.memref_squeeze %dma_wait3A_251 : memref<1x100x128xf32, #tpu.memory_space<hbm>> -> memref<100x128xf32, #tpu.memory_space<hbm>>
        %dma_wait3A_253 = arith.constant 0 : i32
        %dma_wait3A_254 = arith.constant 0 : i32
        %dma_wait3A_255 = tpu.memref_slice %arg5[%dma_wait3A_253, %dma_wait3A_254] : memref<800x128xf32, #tpu.memory_space<vmem>> -> memref<100x128xf32, #tpu.memory_space<vmem>>
        %dma_wait3A_256 = arith.constant 0 : i32
        %dma_wait3A_257 = tpu.memref_slice %arg2[%dma_wait3A, %dma_wait3A_256, %mul3A_18] : memref<100x100x2048xf32, #tpu.memory_space<hbm>> -> memref<1x100x128xf32, #tpu.memory_space<hbm>>
        %dma_wait3A_258 = tpu.memref_squeeze %dma_wait3A_257 : memref<1x100x128xf32, #tpu.memory_space<hbm>> -> memref<100x128xf32, #tpu.memory_space<hbm>>
        tpu.wait_dma2 semaphore(%arg9 : memref<!tpu.dma_semaphore, #tpu.memory_space<semaphore_mem>>) src(%dma_wait3A_258 : memref<100x128xf32, #tpu.memory_space<hbm>>) dst(%dma_wait3A_255 : memref<100x128xf32, #tpu.memory_space<vmem>>)
        %dma_wait3A_259 = arith.constant 0 : i32
        %dma_wait3A_260 = arith.constant 100 : i32
        %dma_wait3A_261 = arith.constant 0 : i32
        %dma_wait3A_262 = tpu.memref_slice %arg5[%dma_wait3A_260, %dma_wait3A_261] : memref<800x128xf32, #tpu.memory_space<vmem>> -> memref<100x128xf32, #tpu.memory_space<vmem>>
        %dma_wait3A_263 = arith.constant 0 : i32
        %dma_wait3A_264 = tpu.memref_slice %arg2[%dma_wait3A_259, %dma_wait3A_263, %mul3A_18] : memref<100x100x2048xf32, #tpu.memory_space<hbm>> -> memref<1x100x128xf32, #tpu.memory_space<hbm>>
        %dma_wait3A_265 = tpu.memref_squeeze %dma_wait3A_264 : memref<1x100x128xf32, #tpu.memory_space<hbm>> -> memref<100x128xf32, #tpu.memory_space<hbm>>
        %dma_wait3A_266 = arith.constant 100 : i32
        %dma_wait3A_267 = arith.constant 0 : i32
        %dma_wait3A_268 = tpu.memref_slice %arg5[%dma_wait3A_266, %dma_wait3A_267] : memref<800x128xf32, #tpu.memory_space<vmem>> -> memref<100x128xf32, #tpu.memory_space<vmem>>
        %dma_wait3A_269 = arith.constant 0 : i32
        %dma_wait3A_270 = tpu.memref_slice %arg2[%dma_wait3A_259, %dma_wait3A_269, %mul3A_18] : memref<100x100x2048xf32, #tpu.memory_space<hbm>> -> memref<1x100x128xf32, #tpu.memory_space<hbm>>
        %dma_wait3A_271 = tpu.memref_squeeze %dma_wait3A_270 : memref<1x100x128xf32, #tpu.memory_space<hbm>> -> memref<100x128xf32, #tpu.memory_space<hbm>>
        tpu.wait_dma2 semaphore(%arg9 : memref<!tpu.dma_semaphore, #tpu.memory_space<semaphore_mem>>) src(%dma_wait3A_271 : memref<100x128xf32, #tpu.memory_space<hbm>>) dst(%dma_wait3A_268 : memref<100x128xf32, #tpu.memory_space<vmem>>)
        %dma_wait3A_272 = arith.constant 0 : i32
        %dma_wait3A_273 = arith.constant 200 : i32
        %dma_wait3A_274 = arith.constant 0 : i32
        %dma_wait3A_275 = tpu.memref_slice %arg5[%dma_wait3A_273, %dma_wait3A_274] : memref<800x128xf32, #tpu.memory_space<vmem>> -> memref<100x128xf32, #tpu.memory_space<vmem>>
        %dma_wait3A_276 = arith.constant 0 : i32
        %dma_wait3A_277 = tpu.memref_slice %arg2[%dma_wait3A_272, %dma_wait3A_276, %mul3A_18] : memref<100x100x2048xf32, #tpu.memory_space<hbm>> -> memref<1x100x128xf32, #tpu.memory_space<hbm>>
        %dma_wait3A_278 = tpu.memref_squeeze %dma_wait3A_277 : memref<1x100x128xf32, #tpu.memory_space<hbm>> -> memref<100x128xf32, #tpu.memory_space<hbm>>
        %dma_wait3A_279 = arith.constant 200 : i32
        %dma_wait3A_280 = arith.constant 0 : i32
        %dma_wait3A_281 = tpu.memref_slice %arg5[%dma_wait3A_279, %dma_wait3A_280] : memref<800x128xf32, #tpu.memory_space<vmem>> -> memref<100x128xf32, #tpu.memory_space<vmem>>
        %dma_wait3A_282 = arith.constant 0 : i32
        %dma_wait3A_283 = tpu.memref_slice %arg2[%dma_wait3A_272, %dma_wait3A_282, %mul3A_18] : memref<100x100x2048xf32, #tpu.memory_space<hbm>> -> memref<1x100x128xf32, #tpu.memory_space<hbm>>
        %dma_wait3A_284 = tpu.memref_squeeze %dma_wait3A_283 : memref<1x100x128xf32, #tpu.memory_space<hbm>> -> memref<100x128xf32, #tpu.memory_space<hbm>>
        tpu.wait_dma2 semaphore(%arg9 : memref<!tpu.dma_semaphore, #tpu.memory_space<semaphore_mem>>) src(%dma_wait3A_284 : memref<100x128xf32, #tpu.memory_space<hbm>>) dst(%dma_wait3A_281 : memref<100x128xf32, #tpu.memory_space<vmem>>)
        %dma_wait3A_285 = arith.constant 0 : i32
        %dma_wait3A_286 = arith.constant 300 : i32
        %dma_wait3A_287 = arith.constant 0 : i32
        %dma_wait3A_288 = tpu.memref_slice %arg5[%dma_wait3A_286, %dma_wait3A_287] : memref<800x128xf32, #tpu.memory_space<vmem>> -> memref<100x128xf32, #tpu.memory_space<vmem>>
        %dma_wait3A_289 = arith.constant 0 : i32
        %dma_wait3A_290 = tpu.memref_slice %arg2[%dma_wait3A_285, %dma_wait3A_289, %mul3A_18] : memref<100x100x2048xf32, #tpu.memory_space<hbm>> -> memref<1x100x128xf32, #tpu.memory_space<hbm>>
        %dma_wait3A_291 = tpu.memref_squeeze %dma_wait3A_290 : memref<1x100x128xf32, #tpu.memory_space<hbm>> -> memref<100x128xf32, #tpu.memory_space<hbm>>
        %dma_wait3A_292 = arith.constant 300 : i32
        %dma_wait3A_293 = arith.constant 0 : i32
        %dma_wait3A_294 = tpu.memref_slice %arg5[%dma_wait3A_292, %dma_wait3A_293] : memref<800x128xf32, #tpu.memory_space<vmem>> -> memref<100x128xf32, #tpu.memory_space<vmem>>
        %dma_wait3A_295 = arith.constant 0 : i32
        %dma_wait3A_296 = tpu.memref_slice %arg2[%dma_wait3A_285, %dma_wait3A_295, %mul3A_18] : memref<100x100x2048xf32, #tpu.memory_space<hbm>> -> memref<1x100x128xf32, #tpu.memory_space<hbm>>
        %dma_wait3A_297 = tpu.memref_squeeze %dma_wait3A_296 : memref<1x100x128xf32, #tpu.memory_space<hbm>> -> memref<100x128xf32, #tpu.memory_space<hbm>>
        tpu.wait_dma2 semaphore(%arg9 : memref<!tpu.dma_semaphore, #tpu.memory_space<semaphore_mem>>) src(%dma_wait3A_297 : memref<100x128xf32, #tpu.memory_space<hbm>>) dst(%dma_wait3A_294 : memref<100x128xf32, #tpu.memory_space<vmem>>)
      } else {
      }
      %not3A = arith.constant true
      %not3A_169 = arith.xori %eq3A_167, %not3A : i1
      %convert_element_type3A_170 = arith.extui %not3A_169 : i1 to i32
      %cond3A_171 = arith.constant 0 : i32
      %cond3A_172 = arith.cmpi ne, %convert_element_type3A_170, %cond3A_171 : i32
      scf.if %cond3A_172 {
        %add3A_240 = arith.constant 1 : i32
        %add3A_241 = arith.addi %scan3A_148, %add3A_240 : i32
        %lt3A_242 = arith.constant 25 : i32
        %lt3A_243 = arith.cmpi slt, %add3A_241, %lt3A_242 : i32
        %convert_element_type3A_244 = arith.extui %lt3A_243 : i1 to i32
        %cond3A_245 = arith.constant 0 : i32
        %cond3A_246 = arith.cmpi ne, %convert_element_type3A_244, %cond3A_245 : i32
        scf.if %cond3A_246 {
          %add3A_298 = arith.constant 1 : i32
          %add3A_299 = arith.addi %scan3A_148, %add3A_298 : i32
          %mul3A_300 = arith.constant 4 : i32
          %mul3A_301 = arith.muli %add3A_299, %mul3A_300 : i32
          %add3A_302 = arith.constant 0 : i32
          %add3A_303 = arith.addi %mul3A_301, %add3A_302 : i32
          %dma_start3A_304 = arith.constant 0 : i32
          %dma_start3A_305 = arith.constant 0 : i32
          %dma_start3A_306 = tpu.memref_slice %arg5[%dma_start3A_304, %dma_start3A_305] : memref<800x128xf32, #tpu.memory_space<vmem>> -> memref<100x128xf32, #tpu.memory_space<vmem>>
          %dma_start3A_307 = arith.constant 0 : i32
          %dma_start3A_308 = tpu.memref_slice %arg2[%add3A_303, %dma_start3A_307, %mul3A_18] : memref<100x100x2048xf32, #tpu.memory_space<hbm>> -> memref<1x100x128xf32, #tpu.memory_space<hbm>>
          %dma_start3A_309 = tpu.memref_squeeze %dma_start3A_308 : memref<1x100x128xf32, #tpu.memory_space<hbm>> -> memref<100x128xf32, #tpu.memory_space<hbm>>
          %dma_start3A_310 = arith.constant 0 : i32
          %dma_start3A_311 = arith.constant 0 : i32
          %dma_start3A_312 = tpu.memref_slice %arg5[%dma_start3A_310, %dma_start3A_311] : memref<800x128xf32, #tpu.memory_space<vmem>> -> memref<100x128xf32, #tpu.memory_space<vmem>>
          %dma_start3A_313 = arith.constant 0 : i32
          %dma_start3A_314 = tpu.memref_slice %arg2[%add3A_303, %dma_start3A_313, %mul3A_18] : memref<100x100x2048xf32, #tpu.memory_space<hbm>> -> memref<1x100x128xf32, #tpu.memory_space<hbm>>
          %dma_start3A_315 = tpu.memref_squeeze %dma_start3A_314 : memref<1x100x128xf32, #tpu.memory_space<hbm>> -> memref<100x128xf32, #tpu.memory_space<hbm>>
          tpu.enqueue_dma source(%dma_start3A_315 : memref<100x128xf32, #tpu.memory_space<hbm>>) target(%dma_start3A_312 : memref<100x128xf32, #tpu.memory_space<vmem>>) target_semaphore(%arg9 : memref<!tpu.dma_semaphore, #tpu.memory_space<semaphore_mem>>)
          %mul3A_316 = arith.constant 4 : i32
          %mul3A_317 = arith.muli %add3A_299, %mul3A_316 : i32
          %add3A_318 = arith.constant 1 : i32
          %add3A_319 = arith.addi %mul3A_317, %add3A_318 : i32
          %dma_start3A_320 = arith.constant 100 : i32
          %dma_start3A_321 = arith.constant 0 : i32
          %dma_start3A_322 = tpu.memref_slice %arg5[%dma_start3A_320, %dma_start3A_321] : memref<800x128xf32, #tpu.memory_space<vmem>> -> memref<100x128xf32, #tpu.memory_space<vmem>>
          %dma_start3A_323 = arith.constant 0 : i32
          %dma_start3A_324 = tpu.memref_slice %arg2[%add3A_319, %dma_start3A_323, %mul3A_18] : memref<100x100x2048xf32, #tpu.memory_space<hbm>> -> memref<1x100x128xf32, #tpu.memory_space<hbm>>
          %dma_start3A_325 = tpu.memref_squeeze %dma_start3A_324 : memref<1x100x128xf32, #tpu.memory_space<hbm>> -> memref<100x128xf32, #tpu.memory_space<hbm>>
          %dma_start3A_326 = arith.constant 100 : i32
          %dma_start3A_327 = arith.constant 0 : i32
          %dma_start3A_328 = tpu.memref_slice %arg5[%dma_start3A_326, %dma_start3A_327] : memref<800x128xf32, #tpu.memory_space<vmem>> -> memref<100x128xf32, #tpu.memory_space<vmem>>
          %dma_start3A_329 = arith.constant 0 : i32
          %dma_start3A_330 = tpu.memref_slice %arg2[%add3A_319, %dma_start3A_329, %mul3A_18] : memref<100x100x2048xf32, #tpu.memory_space<hbm>> -> memref<1x100x128xf32, #tpu.memory_space<hbm>>
          %dma_start3A_331 = tpu.memref_squeeze %dma_start3A_330 : memref<1x100x128xf32, #tpu.memory_space<hbm>> -> memref<100x128xf32, #tpu.memory_space<hbm>>
          tpu.enqueue_dma source(%dma_start3A_331 : memref<100x128xf32, #tpu.memory_space<hbm>>) target(%dma_start3A_328 : memref<100x128xf32, #tpu.memory_space<vmem>>) target_semaphore(%arg9 : memref<!tpu.dma_semaphore, #tpu.memory_space<semaphore_mem>>)
          %mul3A_332 = arith.constant 4 : i32
          %mul3A_333 = arith.muli %add3A_299, %mul3A_332 : i32
          %add3A_334 = arith.constant 2 : i32
          %add3A_335 = arith.addi %mul3A_333, %add3A_334 : i32
          %dma_start3A_336 = arith.constant 200 : i32
          %dma_start3A_337 = arith.constant 0 : i32
          %dma_start3A_338 = tpu.memref_slice %arg5[%dma_start3A_336, %dma_start3A_337] : memref<800x128xf32, #tpu.memory_space<vmem>> -> memref<100x128xf32, #tpu.memory_space<vmem>>
          %dma_start3A_339 = arith.constant 0 : i32
          %dma_start3A_340 = tpu.memref_slice %arg2[%add3A_335, %dma_start3A_339, %mul3A_18] : memref<100x100x2048xf32, #tpu.memory_space<hbm>> -> memref<1x100x128xf32, #tpu.memory_space<hbm>>
          %dma_start3A_341 = tpu.memref_squeeze %dma_start3A_340 : memref<1x100x128xf32, #tpu.memory_space<hbm>> -> memref<100x128xf32, #tpu.memory_space<hbm>>
          %dma_start3A_342 = arith.constant 200 : i32
          %dma_start3A_343 = arith.constant 0 : i32
          %dma_start3A_344 = tpu.memref_slice %arg5[%dma_start3A_342, %dma_start3A_343] : memref<800x128xf32, #tpu.memory_space<vmem>> -> memref<100x128xf32, #tpu.memory_space<vmem>>
          %dma_start3A_345 = arith.constant 0 : i32
          %dma_start3A_346 = tpu.memref_slice %arg2[%add3A_335, %dma_start3A_345, %mul3A_18] : memref<100x100x2048xf32, #tpu.memory_space<hbm>> -> memref<1x100x128xf32, #tpu.memory_space<hbm>>
          %dma_start3A_347 = tpu.memref_squeeze %dma_start3A_346 : memref<1x100x128xf32, #tpu.memory_space<hbm>> -> memref<100x128xf32, #tpu.memory_space<hbm>>
          tpu.enqueue_dma source(%dma_start3A_347 : memref<100x128xf32, #tpu.memory_space<hbm>>) target(%dma_start3A_344 : memref<100x128xf32, #tpu.memory_space<vmem>>) target_semaphore(%arg9 : memref<!tpu.dma_semaphore, #tpu.memory_space<semaphore_mem>>)
          %mul3A_348 = arith.constant 4 : i32
          %mul3A_349 = arith.muli %add3A_299, %mul3A_348 : i32
          %add3A_350 = arith.constant 3 : i32
          %add3A_351 = arith.addi %mul3A_349, %add3A_350 : i32
          %dma_start3A_352 = arith.constant 300 : i32
          %dma_start3A_353 = arith.constant 0 : i32
          %dma_start3A_354 = tpu.memref_slice %arg5[%dma_start3A_352, %dma_start3A_353] : memref<800x128xf32, #tpu.memory_space<vmem>> -> memref<100x128xf32, #tpu.memory_space<vmem>>
          %dma_start3A_355 = arith.constant 0 : i32
          %dma_start3A_356 = tpu.memref_slice %arg2[%add3A_351, %dma_start3A_355, %mul3A_18] : memref<100x100x2048xf32, #tpu.memory_space<hbm>> -> memref<1x100x128xf32, #tpu.memory_space<hbm>>
          %dma_start3A_357 = tpu.memref_squeeze %dma_start3A_356 : memref<1x100x128xf32, #tpu.memory_space<hbm>> -> memref<100x128xf32, #tpu.memory_space<hbm>>
          %dma_start3A_358 = arith.constant 300 : i32
          %dma_start3A_359 = arith.constant 0 : i32
          %dma_start3A_360 = tpu.memref_slice %arg5[%dma_start3A_358, %dma_start3A_359] : memref<800x128xf32, #tpu.memory_space<vmem>> -> memref<100x128xf32, #tpu.memory_space<vmem>>
          %dma_start3A_361 = arith.constant 0 : i32
          %dma_start3A_362 = tpu.memref_slice %arg2[%add3A_351, %dma_start3A_361, %mul3A_18] : memref<100x100x2048xf32, #tpu.memory_space<hbm>> -> memref<1x100x128xf32, #tpu.memory_space<hbm>>
          %dma_start3A_363 = tpu.memref_squeeze %dma_start3A_362 : memref<1x100x128xf32, #tpu.memory_space<hbm>> -> memref<100x128xf32, #tpu.memory_space<hbm>>
          tpu.enqueue_dma source(%dma_start3A_363 : memref<100x128xf32, #tpu.memory_space<hbm>>) target(%dma_start3A_360 : memref<100x128xf32, #tpu.memory_space<vmem>>) target_semaphore(%arg9 : memref<!tpu.dma_semaphore, #tpu.memory_space<semaphore_mem>>)
        } else {
        }
        %dma_wait3A = arith.constant 0 : i32
        %dma_wait3A_247 = arith.constant 400 : i32
        %dma_wait3A_248 = arith.constant 0 : i32
        %dma_wait3A_249 = tpu.memref_slice %arg5[%dma_wait3A_247, %dma_wait3A_248] : memref<800x128xf32, #tpu.memory_space<vmem>> -> memref<100x128xf32, #tpu.memory_space<vmem>>
        %dma_wait3A_250 = arith.constant 0 : i32
        %dma_wait3A_251 = tpu.memref_slice %arg2[%dma_wait3A, %dma_wait3A_250, %mul3A_18] : memref<100x100x2048xf32, #tpu.memory_space<hbm>> -> memref<1x100x128xf32, #tpu.memory_space<hbm>>
        %dma_wait3A_252 = tpu.memref_squeeze %dma_wait3A_251 : memref<1x100x128xf32, #tpu.memory_space<hbm>> -> memref<100x128xf32, #tpu.memory_space<hbm>>
        %dma_wait3A_253 = arith.constant 400 : i32
        %dma_wait3A_254 = arith.constant 0 : i32
        %dma_wait3A_255 = tpu.memref_slice %arg5[%dma_wait3A_253, %dma_wait3A_254] : memref<800x128xf32, #tpu.memory_space<vmem>> -> memref<100x128xf32, #tpu.memory_space<vmem>>
        %dma_wait3A_256 = arith.constant 0 : i32
        %dma_wait3A_257 = tpu.memref_slice %arg2[%dma_wait3A, %dma_wait3A_256, %mul3A_18] : memref<100x100x2048xf32, #tpu.memory_space<hbm>> -> memref<1x100x128xf32, #tpu.memory_space<hbm>>
        %dma_wait3A_258 = tpu.memref_squeeze %dma_wait3A_257 : memref<1x100x128xf32, #tpu.memory_space<hbm>> -> memref<100x128xf32, #tpu.memory_space<hbm>>
        tpu.wait_dma2 semaphore(%arg10 : memref<!tpu.dma_semaphore, #tpu.memory_space<semaphore_mem>>) src(%dma_wait3A_258 : memref<100x128xf32, #tpu.memory_space<hbm>>) dst(%dma_wait3A_255 : memref<100x128xf32, #tpu.memory_space<vmem>>)
        %dma_wait3A_259 = arith.constant 0 : i32
        %dma_wait3A_260 = arith.constant 500 : i32
        %dma_wait3A_261 = arith.constant 0 : i32
        %dma_wait3A_262 = tpu.memref_slice %arg5[%dma_wait3A_260, %dma_wait3A_261] : memref<800x128xf32, #tpu.memory_space<vmem>> -> memref<100x128xf32, #tpu.memory_space<vmem>>
        %dma_wait3A_263 = arith.constant 0 : i32
        %dma_wait3A_264 = tpu.memref_slice %arg2[%dma_wait3A_259, %dma_wait3A_263, %mul3A_18] : memref<100x100x2048xf32, #tpu.memory_space<hbm>> -> memref<1x100x128xf32, #tpu.memory_space<hbm>>
        %dma_wait3A_265 = tpu.memref_squeeze %dma_wait3A_264 : memref<1x100x128xf32, #tpu.memory_space<hbm>> -> memref<100x128xf32, #tpu.memory_space<hbm>>
        %dma_wait3A_266 = arith.constant 500 : i32
        %dma_wait3A_267 = arith.constant 0 : i32
        %dma_wait3A_268 = tpu.memref_slice %arg5[%dma_wait3A_266, %dma_wait3A_267] : memref<800x128xf32, #tpu.memory_space<vmem>> -> memref<100x128xf32, #tpu.memory_space<vmem>>
        %dma_wait3A_269 = arith.constant 0 : i32
        %dma_wait3A_270 = tpu.memref_slice %arg2[%dma_wait3A_259, %dma_wait3A_269, %mul3A_18] : memref<100x100x2048xf32, #tpu.memory_space<hbm>> -> memref<1x100x128xf32, #tpu.memory_space<hbm>>
        %dma_wait3A_271 = tpu.memref_squeeze %dma_wait3A_270 : memref<1x100x128xf32, #tpu.memory_space<hbm>> -> memref<100x128xf32, #tpu.memory_space<hbm>>
        tpu.wait_dma2 semaphore(%arg10 : memref<!tpu.dma_semaphore, #tpu.memory_space<semaphore_mem>>) src(%dma_wait3A_271 : memref<100x128xf32, #tpu.memory_space<hbm>>) dst(%dma_wait3A_268 : memref<100x128xf32, #tpu.memory_space<vmem>>)
        %dma_wait3A_272 = arith.constant 0 : i32
        %dma_wait3A_273 = arith.constant 600 : i32
        %dma_wait3A_274 = arith.constant 0 : i32
        %dma_wait3A_275 = tpu.memref_slice %arg5[%dma_wait3A_273, %dma_wait3A_274] : memref<800x128xf32, #tpu.memory_space<vmem>> -> memref<100x128xf32, #tpu.memory_space<vmem>>
        %dma_wait3A_276 = arith.constant 0 : i32
        %dma_wait3A_277 = tpu.memref_slice %arg2[%dma_wait3A_272, %dma_wait3A_276, %mul3A_18] : memref<100x100x2048xf32, #tpu.memory_space<hbm>> -> memref<1x100x128xf32, #tpu.memory_space<hbm>>
        %dma_wait3A_278 = tpu.memref_squeeze %dma_wait3A_277 : memref<1x100x128xf32, #tpu.memory_space<hbm>> -> memref<100x128xf32, #tpu.memory_space<hbm>>
        %dma_wait3A_279 = arith.constant 600 : i32
        %dma_wait3A_280 = arith.constant 0 : i32
        %dma_wait3A_281 = tpu.memref_slice %arg5[%dma_wait3A_279, %dma_wait3A_280] : memref<800x128xf32, #tpu.memory_space<vmem>> -> memref<100x128xf32, #tpu.memory_space<vmem>>
        %dma_wait3A_282 = arith.constant 0 : i32
        %dma_wait3A_283 = tpu.memref_slice %arg2[%dma_wait3A_272, %dma_wait3A_282, %mul3A_18] : memref<100x100x2048xf32, #tpu.memory_space<hbm>> -> memref<1x100x128xf32, #tpu.memory_space<hbm>>
        %dma_wait3A_284 = tpu.memref_squeeze %dma_wait3A_283 : memref<1x100x128xf32, #tpu.memory_space<hbm>> -> memref<100x128xf32, #tpu.memory_space<hbm>>
        tpu.wait_dma2 semaphore(%arg10 : memref<!tpu.dma_semaphore, #tpu.memory_space<semaphore_mem>>) src(%dma_wait3A_284 : memref<100x128xf32, #tpu.memory_space<hbm>>) dst(%dma_wait3A_281 : memref<100x128xf32, #tpu.memory_space<vmem>>)
        %dma_wait3A_285 = arith.constant 0 : i32
        %dma_wait3A_286 = arith.constant 700 : i32
        %dma_wait3A_287 = arith.constant 0 : i32
        %dma_wait3A_288 = tpu.memref_slice %arg5[%dma_wait3A_286, %dma_wait3A_287] : memref<800x128xf32, #tpu.memory_space<vmem>> -> memref<100x128xf32, #tpu.memory_space<vmem>>
        %dma_wait3A_289 = arith.constant 0 : i32
        %dma_wait3A_290 = tpu.memref_slice %arg2[%dma_wait3A_285, %dma_wait3A_289, %mul3A_18] : memref<100x100x2048xf32, #tpu.memory_space<hbm>> -> memref<1x100x128xf32, #tpu.memory_space<hbm>>
        %dma_wait3A_291 = tpu.memref_squeeze %dma_wait3A_290 : memref<1x100x128xf32, #tpu.memory_space<hbm>> -> memref<100x128xf32, #tpu.memory_space<hbm>>
        %dma_wait3A_292 = arith.constant 700 : i32
        %dma_wait3A_293 = arith.constant 0 : i32
        %dma_wait3A_294 = tpu.memref_slice %arg5[%dma_wait3A_292, %dma_wait3A_293] : memref<800x128xf32, #tpu.memory_space<vmem>> -> memref<100x128xf32, #tpu.memory_space<vmem>>
        %dma_wait3A_295 = arith.constant 0 : i32
        %dma_wait3A_296 = tpu.memref_slice %arg2[%dma_wait3A_285, %dma_wait3A_295, %mul3A_18] : memref<100x100x2048xf32, #tpu.memory_space<hbm>> -> memref<1x100x128xf32, #tpu.memory_space<hbm>>
        %dma_wait3A_297 = tpu.memref_squeeze %dma_wait3A_296 : memref<1x100x128xf32, #tpu.memory_space<hbm>> -> memref<100x128xf32, #tpu.memory_space<hbm>>
        tpu.wait_dma2 semaphore(%arg10 : memref<!tpu.dma_semaphore, #tpu.memory_space<semaphore_mem>>) src(%dma_wait3A_297 : memref<100x128xf32, #tpu.memory_space<hbm>>) dst(%dma_wait3A_294 : memref<100x128xf32, #tpu.memory_space<vmem>>)
      } else {
      }
      %jit3A_173 = arith.constant 2 : i32
      %eq3A_174 = arith.constant 0 : i32
      %eq3A_175 = arith.cmpi eq, %jit3A_173, %eq3A_174 : i32
      %jit3A_176 = arith.constant 1 : i32
      %select_n3A_177 = arith.select %eq3A_175, %jit3A_176, %jit3A_173 : i32
      %rem3A_178 = arith.remsi %scan3A_148, %select_n3A_177 : i32
      %ne3A_179 = arith.constant 0 : i32
      %ne3A_180 = arith.cmpi ne, %rem3A_178, %ne3A_179 : i32
      %lt3A_181 = arith.constant 0 : i32
      %lt3A_182 = arith.cmpi slt, %rem3A_178, %lt3A_181 : i32
      %lt3A_183 = arith.constant 0 : i32
      %lt3A_184 = arith.cmpi slt, %select_n3A_177, %lt3A_183 : i32
      %ne3A_185 = arith.xori %lt3A_182, %lt3A_184 : i1
      %and3A_186 = arith.andi %ne3A_185, %ne3A_180 : i1
      %add3A_187 = arith.addi %rem3A_178, %select_n3A_177 : i32
      %select_n3A_188 = arith.select %and3A_186, %add3A_187, %rem3A_178 : i32
      %mul3A_189 = arith.constant 400 : i32
      %mul3A_190 = arith.muli %select_n3A_188, %mul3A_189 : i32
      %add3A_191 = arith.constant 0 : i32
      %add3A_192 = arith.addi %mul3A_34, %add3A_191 : i32
      %add3A_193 = arith.constant 16 : i32
      %add3A_194 = arith.addi %mul3A_34, %add3A_193 : i32
      %add3A_195 = arith.constant 0 : i32
      %add3A_196 = vector.broadcast %add3A_195 : i32 to vector<16xi32>
      %add3A_197 = arith.addi %iota3A, %add3A_196 : vector<16xi32>
      %add3A_198 = arith.constant 16 : i32
      %add3A_199 = vector.broadcast %add3A_198 : i32 to vector<16xi32>
      %add3A_200 = arith.addi %iota3A, %add3A_199 : vector<16xi32>
      %get3A_201 = arith.constant 0 : index
      %get3A_202 = tpu.vector_load %arg8[%get3A_201] {strides = array<i32>} : memref<64xf32, #tpu.memory_space<vmem>>, vector<16xf32>,
      %get3A_203 = arith.constant 16 : index
      %get3A_204 = tpu.vector_load %arg8[%get3A_203] {strides = array<i32>} : memref<64xf32, #tpu.memory_space<vmem>>, vector<16xf32>,
      %scan3A_205 = arith.constant 0 : i32
      %scan3A_206 = arith.constant 4 : i32
      %scan3A_207 = arith.addi %scan3A_205, %scan3A_206 : i32
      %scan3A_208 = arith.constant 1 : i32
      %scan3A_209:2 = scf.for %scan3A_240 = %scan3A_205 to %scan3A_207 step %scan3A_208 iter_args(%scan3A_241 = %get3A_202, %scan3A_242 = %get3A_204) -> (vector<16xf32>, vector<16xf32>)  : i32 {
        %mul3A_243 = arith.constant 100 : i32
        %mul3A_244 = arith.muli %scan3A_240, %mul3A_243 : i32
        %add3A_245 = arith.addi %mul3A_190, %mul3A_244 : i32
        %scan3A_246 = arith.constant 0 : i32
        %scan3A_247 = arith.constant 25 : i32
        %scan3A_248 = arith.addi %scan3A_246, %scan3A_247 : i32
        %scan3A_249 = arith.constant 1 : i32
        %scan3A_250:17 = scf.for %scan3A_335 = %scan3A_246 to %scan3A_248 step %scan3A_249 iter_args(%scan3A_336 = %broadcast_in_dim3A_37, %scan3A_337 = %broadcast_in_dim3A_35, %scan3A_338 = %broadcast_in_dim3A_37, %scan3A_339 = %broadcast_in_dim3A_35, %scan3A_340 = %broadcast_in_dim3A_37, %scan3A_341 = %broadcast_in_dim3A_35, %scan3A_342 = %broadcast_in_dim3A_37, %scan3A_343 = %broadcast_in_dim3A_35, %scan3A_344 = %broadcast_in_dim3A_37, %scan3A_345 = %broadcast_in_dim3A_35, %scan3A_346 = %broadcast_in_dim3A_37, %scan3A_347 = %broadcast_in_dim3A_35, %scan3A_348 = %broadcast_in_dim3A_37, %scan3A_349 = %broadcast_in_dim3A_35, %scan3A_350 = %broadcast_in_dim3A_37, %scan3A_351 = %broadcast_in_dim3A_35, %scan3A_352 = %broadcast_in_dim3A_37) -> (vector<16xi32>, vector<16xf32>, vector<16xi32>, vector<16xf32>, vector<16xi32>, vector<16xf32>, vector<16xi32>, vector<16xf32>, vector<16xi32>, vector<16xf32>, vector<16xi32>, vector<16xf32>, vector<16xi32>, vector<16xf32>, vector<16xi32>, vector<16xf32>, vector<16xi32>)  : i32 {
          %mul3A_353 = arith.constant 4 : i32
          %mul3A_354 = arith.muli %mul3A_353, %scan3A_335 : i32
          %add3A_355 = arith.addi %add3A_245, %mul3A_354 : i32
          %add3A_356 = arith.constant 0 : i32
          %add3A_357 = arith.addi %add3A_355, %add3A_356 : i32
          %get3A_358 = arith.index_cast %add3A_357 : i32 to index
          %get3A_359 = arith.index_cast %add3A_192 : i32 to index
          %get3A_360 = tpu.vector_load %arg5[%get3A_358, %get3A_359] {strides = array<i32>} : memref<800x128xf32, #tpu.memory_space<vmem>>, vector<16xf32>,
          %mul3A_361 = arith.constant 4 : i32
          %mul3A_362 = arith.muli %mul3A_361, %scan3A_335 : i32
          %add3A_363 = arith.constant 0 : i32
          %add3A_364 = arith.addi %mul3A_362, %add3A_363 : i32
          %get3A_365 = arith.index_cast %add3A_364 : i32 to index
          %get3A_366 = arith.constant 0 : index
          %get3A_367 = tpu.vector_load %arg6[%get3A_365, %get3A_366] {strides = array<i32>} : memref<100x128xf32, #tpu.memory_space<vmem>>, vector<16xf32>,
          %max3A_368 = arith.maximumf %get3A_367, %scan3A_337 : vector<16xf32>
          %gt3A_369 = arith.cmpf ogt, %get3A_360, %max3A_368 : vector<16xf32>
          %select_n3A_370 = arith.select %gt3A_369, %scan3A_336, %scan3A_338 : vector<16xi1>, vector<16xi32>
          %select_n3A_371 = arith.select %gt3A_369, %get3A_360, %scan3A_337 : vector<16xi1>, vector<16xf32>
          %get3A_372 = arith.index_cast %add3A_357 : i32 to index
          %get3A_373 = arith.index_cast %add3A_194 : i32 to index
          %get3A_374 = tpu.vector_load %arg5[%get3A_372, %get3A_373] {strides = array<i32>} : memref<800x128xf32, #tpu.memory_space<vmem>>, vector<16xf32>,
          %mul3A_375 = arith.constant 4 : i32
          %mul3A_376 = arith.muli %mul3A_375, %scan3A_335 : i32
          %add3A_377 = arith.constant 0 : i32
          %add3A_378 = arith.addi %mul3A_376, %add3A_377 : i32
          %get3A_379 = arith.index_cast %add3A_378 : i32 to index
          %get3A_380 = arith.constant 16 : index
          %get3A_381 = tpu.vector_load %arg6[%get3A_379, %get3A_380] {strides = array<i32>} : memref<100x128xf32, #tpu.memory_space<vmem>>, vector<16xf32>,
          %max3A_382 = arith.maximumf %get3A_381, %scan3A_345 : vector<16xf32>
          %gt3A_383 = arith.cmpf ogt, %get3A_374, %max3A_382 : vector<16xf32>
          %select_n3A_384 = arith.select %gt3A_383, %scan3A_336, %scan3A_346 : vector<16xi1>, vector<16xi32>
          %select_n3A_385 = arith.select %gt3A_383, %get3A_374, %scan3A_345 : vector<16xi1>, vector<16xf32>
          %mul3A_386 = arith.constant 4 : i32
          %mul3A_387 = arith.muli %mul3A_386, %scan3A_335 : i32
          %add3A_388 = arith.addi %add3A_245, %mul3A_387 : i32
          %add3A_389 = arith.constant 1 : i32
          %add3A_390 = arith.addi %add3A_388, %add3A_389 : i32
          %get3A_391 = arith.index_cast %add3A_390 : i32 to index
          %get3A_392 = arith.index_cast %add3A_192 : i32 to index
          %get3A_393 = tpu.vector_load %arg5[%get3A_391, %get3A_392] {strides = array<i32>} : memref<800x128xf32, #tpu.memory_space<vmem>>, vector<16xf32>,
          %mul3A_394 = arith.constant 4 : i32
          %mul3A_395 = arith.muli %mul3A_394, %scan3A_335 : i32
          %add3A_396 = arith.constant 1 : i32
          %add3A_397 = arith.addi %mul3A_395, %add3A_396 : i32
          %get3A_398 = arith.index_cast %add3A_397 : i32 to index
          %get3A_399 = arith.constant 0 : index
          %get3A_400 = tpu.vector_load %arg6[%get3A_398, %get3A_399] {strides = array<i32>} : memref<100x128xf32, #tpu.memory_space<vmem>>, vector<16xf32>,
          %max3A_401 = arith.maximumf %get3A_400, %scan3A_339 : vector<16xf32>
          %gt3A_402 = arith.cmpf ogt, %get3A_393, %max3A_401 : vector<16xf32>
          %select_n3A_403 = arith.select %gt3A_402, %scan3A_336, %scan3A_340 : vector<16xi1>, vector<16xi32>
          %select_n3A_404 = arith.select %gt3A_402, %get3A_393, %scan3A_339 : vector<16xi1>, vector<16xf32>
          %get3A_405 = arith.index_cast %add3A_390 : i32 to index
          %get3A_406 = arith.index_cast %add3A_194 : i32 to index
          %get3A_407 = tpu.vector_load %arg5[%get3A_405, %get3A_406] {strides = array<i32>} : memref<800x128xf32, #tpu.memory_space<vmem>>, vector<16xf32>,
          %mul3A_408 = arith.constant 4 : i32
          %mul3A_409 = arith.muli %mul3A_408, %scan3A_335 : i32
          %add3A_410 = arith.constant 1 : i32
          %add3A_411 = arith.addi %mul3A_409, %add3A_410 : i32
          %get3A_412 = arith.index_cast %add3A_411 : i32 to index
          %get3A_413 = arith.constant 16 : index
          %get3A_414 = tpu.vector_load %arg6[%get3A_412, %get3A_413] {strides = array<i32>} : memref<100x128xf32, #tpu.memory_space<vmem>>, vector<16xf32>,
          %max3A_415 = arith.maximumf %get3A_414, %scan3A_347 : vector<16xf32>
          %gt3A_416 = arith.cmpf ogt, %get3A_407, %max3A_415 : vector<16xf32>
          %select_n3A_417 = arith.select %gt3A_416, %scan3A_336, %scan3A_348 : vector<16xi1>, vector<16xi32>
          %select_n3A_418 = arith.select %gt3A_416, %get3A_407, %scan3A_347 : vector<16xi1>, vector<16xf32>
          %mul3A_419 = arith.constant 4 : i32
          %mul3A_420 = arith.muli %mul3A_419, %scan3A_335 : i32
          %add3A_421 = arith.addi %add3A_245, %mul3A_420 : i32
          %add3A_422 = arith.constant 2 : i32
          %add3A_423 = arith.addi %add3A_421, %add3A_422 : i32
          %get3A_424 = arith.index_cast %add3A_423 : i32 to index
          %get3A_425 = arith.index_cast %add3A_192 : i32 to index
          %get3A_426 = tpu.vector_load %arg5[%get3A_424, %get3A_425] {strides = array<i32>} : memref<800x128xf32, #tpu.memory_space<vmem>>, vector<16xf32>,
          %mul3A_427 = arith.constant 4 : i32
          %mul3A_428 = arith.muli %mul3A_427, %scan3A_335 : i32
          %add3A_429 = arith.constant 2 : i32
          %add3A_430 = arith.addi %mul3A_428, %add3A_429 : i32
          %get3A_431 = arith.index_cast %add3A_430 : i32 to index
          %get3A_432 = arith.constant 0 : index
          %get3A_433 = tpu.vector_load %arg6[%get3A_431, %get3A_432] {strides = array<i32>} : memref<100x128xf32, #tpu.memory_space<vmem>>, vector<16xf32>,
          %max3A_434 = arith.maximumf %get3A_433, %scan3A_341 : vector<16xf32>
          %gt3A_435 = arith.cmpf ogt, %get3A_426, %max3A_434 : vector<16xf32>
          %select_n3A_436 = arith.select %gt3A_435, %scan3A_336, %scan3A_342 : vector<16xi1>, vector<16xi32>
          %select_n3A_437 = arith.select %gt3A_435, %get3A_426, %scan3A_341 : vector<16xi1>, vector<16xf32>
          %get3A_438 = arith.index_cast %add3A_423 : i32 to index
          %get3A_439 = arith.index_cast %add3A_194 : i32 to index
          %get3A_440 = tpu.vector_load %arg5[%get3A_438, %get3A_439] {strides = array<i32>} : memref<800x128xf32, #tpu.memory_space<vmem>>, vector<16xf32>,
          %mul3A_441 = arith.constant 4 : i32
          %mul3A_442 = arith.muli %mul3A_441, %scan3A_335 : i32
          %add3A_443 = arith.constant 2 : i32
          %add3A_444 = arith.addi %mul3A_442, %add3A_443 : i32
          %get3A_445 = arith.index_cast %add3A_444 : i32 to index
          %get3A_446 = arith.constant 16 : index
          %get3A_447 = tpu.vector_load %arg6[%get3A_445, %get3A_446] {strides = array<i32>} : memref<100x128xf32, #tpu.memory_space<vmem>>, vector<16xf32>,
          %max3A_448 = arith.maximumf %get3A_447, %scan3A_349 : vector<16xf32>
          %gt3A_449 = arith.cmpf ogt, %get3A_440, %max3A_448 : vector<16xf32>
          %select_n3A_450 = arith.select %gt3A_449, %scan3A_336, %scan3A_350 : vector<16xi1>, vector<16xi32>
          %select_n3A_451 = arith.select %gt3A_449, %get3A_440, %scan3A_349 : vector<16xi1>, vector<16xf32>
          %mul3A_452 = arith.constant 4 : i32
          %mul3A_453 = arith.muli %mul3A_452, %scan3A_335 : i32
          %add3A_454 = arith.addi %add3A_245, %mul3A_453 : i32
          %add3A_455 = arith.constant 3 : i32
          %add3A_456 = arith.addi %add3A_454, %add3A_455 : i32
          %get3A_457 = arith.index_cast %add3A_456 : i32 to index
          %get3A_458 = arith.index_cast %add3A_192 : i32 to index
          %get3A_459 = tpu.vector_load %arg5[%get3A_457, %get3A_458] {strides = array<i32>} : memref<800x128xf32, #tpu.memory_space<vmem>>, vector<16xf32>,
          %mul3A_460 = arith.constant 4 : i32
          %mul3A_461 = arith.muli %mul3A_460, %scan3A_335 : i32
          %add3A_462 = arith.constant 3 : i32
          %add3A_463 = arith.addi %mul3A_461, %add3A_462 : i32
          %get3A_464 = arith.index_cast %add3A_463 : i32 to index
          %get3A_465 = arith.constant 0 : index
          %get3A_466 = tpu.vector_load %arg6[%get3A_464, %get3A_465] {strides = array<i32>} : memref<100x128xf32, #tpu.memory_space<vmem>>, vector<16xf32>,
          %max3A_467 = arith.maximumf %get3A_466, %scan3A_343 : vector<16xf32>
          %gt3A_468 = arith.cmpf ogt, %get3A_459, %max3A_467 : vector<16xf32>
          %select_n3A_469 = arith.select %gt3A_468, %scan3A_336, %scan3A_344 : vector<16xi1>, vector<16xi32>
          %select_n3A_470 = arith.select %gt3A_468, %get3A_459, %scan3A_343 : vector<16xi1>, vector<16xf32>
          %get3A_471 = arith.index_cast %add3A_456 : i32 to index
          %get3A_472 = arith.index_cast %add3A_194 : i32 to index
          %get3A_473 = tpu.vector_load %arg5[%get3A_471, %get3A_472] {strides = array<i32>} : memref<800x128xf32, #tpu.memory_space<vmem>>, vector<16xf32>,
          %mul3A_474 = arith.constant 4 : i32
          %mul3A_475 = arith.muli %mul3A_474, %scan3A_335 : i32
          %add3A_476 = arith.constant 3 : i32
          %add3A_477 = arith.addi %mul3A_475, %add3A_476 : i32
          %get3A_478 = arith.index_cast %add3A_477 : i32 to index
          %get3A_479 = arith.constant 16 : index
          %get3A_480 = tpu.vector_load %arg6[%get3A_478, %get3A_479] {strides = array<i32>} : memref<100x128xf32, #tpu.memory_space<vmem>>, vector<16xf32>,
          %max3A_481 = arith.maximumf %get3A_480, %scan3A_351 : vector<16xf32>
          %gt3A_482 = arith.cmpf ogt, %get3A_473, %max3A_481 : vector<16xf32>
          %select_n3A_483 = arith.select %gt3A_482, %scan3A_336, %scan3A_352 : vector<16xi1>, vector<16xi32>
          %select_n3A_484 = arith.select %gt3A_482, %get3A_473, %scan3A_351 : vector<16xi1>, vector<16xf32>
          %add3A_485 = arith.addi %scan3A_336, %broadcast_in_dim3A_39 : vector<16xi32>
          scf.yield %add3A_485, %select_n3A_371, %select_n3A_370, %select_n3A_404, %select_n3A_403, %select_n3A_437, %select_n3A_436, %select_n3A_470, %select_n3A_469, %select_n3A_385, %select_n3A_384, %select_n3A_418, %select_n3A_417, %select_n3A_451, %select_n3A_450, %select_n3A_484, %select_n3A_483 : vector<16xi32>, vector<16xf32>, vector<16xi32>, vector<16xf32>, vector<16xi32>, vector<16xf32>, vector<16xi32>, vector<16xf32>, vector<16xi32>, vector<16xf32>, vector<16xi32>, vector<16xf32>, vector<16xi32>, vector<16xf32>, vector<16xi32>, vector<16xf32>, vector<16xi32>
        }
        %scan3A_251 = arith.constant 25 : i32
        %mul3A_252 = arith.constant 4 : i32
        %mul3A_253 = arith.muli %scan3A_148, %mul3A_252 : i32
        %add3A_254 = arith.addi %mul3A_253, %scan3A_240 : i32
        %broadcast_in_dim3A_255 = vector.broadcast %add3A_254 : i32 to vector<16xi32>
        %max3A = arith.maximumf %scan3A_250#1, %scan3A_250#3 : vector<16xf32>
        %max3A_256 = arith.maximumf %scan3A_250#5, %scan3A_250#7 : vector<16xf32>
        %max3A_257 = arith.maximumf %max3A, %max3A_256 : vector<16xf32>
        %eq3A_258 = arith.cmpf oeq, %scan3A_250#1, %max3A_257 : vector<16xf32>
        %mul3A_259 = arith.constant 4 : i32
        %mul3A_260 = vector.broadcast %mul3A_259 : i32 to vector<16xi32>
        %mul3A_261 = arith.muli %scan3A_250#2, %mul3A_260 : vector<16xi32>
        %select_n3A_262 = arith.select %eq3A_258, %mul3A_261, %broadcast_in_dim3A_45 : vector<16xi1>, vector<16xi32>
        %eq3A_263 = arith.cmpf oeq, %scan3A_250#3, %max3A_257 : vector<16xf32>
        %mul3A_264 = arith.constant 4 : i32
        %mul3A_265 = vector.broadcast %mul3A_264 : i32 to vector<16xi32>
        %mul3A_266 = arith.muli %scan3A_250#4, %mul3A_265 : vector<16xi32>
        %add3A_267 = arith.constant 1 : i32
        %add3A_268 = vector.broadcast %add3A_267 : i32 to vector<16xi32>
        %add3A_269 = arith.addi %mul3A_266, %add3A_268 : vector<16xi32>
        %select_n3A_270 = arith.select %eq3A_263, %add3A_269, %broadcast_in_dim3A_45 : vector<16xi1>, vector<16xi32>
        %eq3A_271 = arith.cmpf oeq, %scan3A_250#5, %max3A_257 : vector<16xf32>
        %mul3A_272 = arith.constant 4 : i32
        %mul3A_273 = vector.broadcast %mul3A_272 : i32 to vector<16xi32>
        %mul3A_274 = arith.muli %scan3A_250#6, %mul3A_273 : vector<16xi32>
        %add3A_275 = arith.constant 2 : i32
        %add3A_276 = vector.broadcast %add3A_275 : i32 to vector<16xi32>
        %add3A_277 = arith.addi %mul3A_274, %add3A_276 : vector<16xi32>
        %select_n3A_278 = arith.select %eq3A_271, %add3A_277, %broadcast_in_dim3A_45 : vector<16xi1>, vector<16xi32>
        %eq3A_279 = arith.cmpf oeq, %scan3A_250#7, %max3A_257 : vector<16xf32>
        %mul3A_280 = arith.constant 4 : i32
        %mul3A_281 = vector.broadcast %mul3A_280 : i32 to vector<16xi32>
        %mul3A_282 = arith.muli %scan3A_250#8, %mul3A_281 : vector<16xi32>
        %add3A_283 = arith.constant 3 : i32
        %add3A_284 = vector.broadcast %add3A_283 : i32 to vector<16xi32>
        %add3A_285 = arith.addi %mul3A_282, %add3A_284 : vector<16xi32>
        %select_n3A_286 = arith.select %eq3A_279, %add3A_285, %broadcast_in_dim3A_45 : vector<16xi1>, vector<16xi32>
        %min3A = arith.minsi %select_n3A_262, %select_n3A_270 : vector<16xi32>
        %min3A_287 = arith.minsi %select_n3A_278, %select_n3A_286 : vector<16xi32>
        %min3A_288 = arith.minsi %min3A, %min3A_287 : vector<16xi32>
        %gt3A = arith.cmpf ogt, %max3A_257, %broadcast_in_dim3A_35 : vector<16xf32>
        %add3A_289 = arith.constant 1 : i32
        %add3A_290 = vector.broadcast %add3A_289 : i32 to vector<16xi32>
        %add3A_291 = arith.addi %min3A_288, %add3A_290 : vector<16xi32>
        %select_n3A_292 = arith.select %gt3A, %add3A_291, %broadcast_in_dim3A_37 : vector<16xi1>, vector<16xi32>
        tpu.vector_store_idx %arg7[%add3A_197, %broadcast_in_dim3A_255], %select_n3A_292 : memref<64x128xi32, #tpu.memory_space<vmem>>[vector<16xi32>, vector<16xi32>], vector<16xi32>,
        tpu.vector_store_idx %arg6[%min3A_288, %add3A_197], %broadcast_in_dim3A_43 masked %gt3A : memref<100x128xf32, #tpu.memory_space<vmem>>[vector<16xi32>, vector<16xi32>], vector<16xf32>, vector<16xi1>
        %add3A_293 = arith.addf %scan3A_241, %max3A_257 : vector<16xf32>
        %max3A_294 = arith.maximumf %scan3A_250#9, %scan3A_250#11 : vector<16xf32>
        %max3A_295 = arith.maximumf %scan3A_250#13, %scan3A_250#15 : vector<16xf32>
        %max3A_296 = arith.maximumf %max3A_294, %max3A_295 : vector<16xf32>
        %eq3A_297 = arith.cmpf oeq, %scan3A_250#9, %max3A_296 : vector<16xf32>
        %mul3A_298 = arith.constant 4 : i32
        %mul3A_299 = vector.broadcast %mul3A_298 : i32 to vector<16xi32>
        %mul3A_300 = arith.muli %scan3A_250#10, %mul3A_299 : vector<16xi32>
        %select_n3A_301 = arith.select %eq3A_297, %mul3A_300, %broadcast_in_dim3A_45 : vector<16xi1>, vector<16xi32>
        %eq3A_302 = arith.cmpf oeq, %scan3A_250#11, %max3A_296 : vector<16xf32>
        %mul3A_303 = arith.constant 4 : i32
        %mul3A_304 = vector.broadcast %mul3A_303 : i32 to vector<16xi32>
        %mul3A_305 = arith.muli %scan3A_250#12, %mul3A_304 : vector<16xi32>
        %add3A_306 = arith.constant 1 : i32
        %add3A_307 = vector.broadcast %add3A_306 : i32 to vector<16xi32>
        %add3A_308 = arith.addi %mul3A_305, %add3A_307 : vector<16xi32>
        %select_n3A_309 = arith.select %eq3A_302, %add3A_308, %broadcast_in_dim3A_45 : vector<16xi1>, vector<16xi32>
        %eq3A_310 = arith.cmpf oeq, %scan3A_250#13, %max3A_296 : vector<16xf32>
        %mul3A_311 = arith.constant 4 : i32
        %mul3A_312 = vector.broadcast %mul3A_311 : i32 to vector<16xi32>
        %mul3A_313 = arith.muli %scan3A_250#14, %mul3A_312 : vector<16xi32>
        %add3A_314 = arith.constant 2 : i32
        %add3A_315 = vector.broadcast %add3A_314 : i32 to vector<16xi32>
        %add3A_316 = arith.addi %mul3A_313, %add3A_315 : vector<16xi32>
        %select_n3A_317 = arith.select %eq3A_310, %add3A_316, %broadcast_in_dim3A_45 : vector<16xi1>, vector<16xi32>
        %eq3A_318 = arith.cmpf oeq, %scan3A_250#15, %max3A_296 : vector<16xf32>
        %mul3A_319 = arith.constant 4 : i32
        %mul3A_320 = vector.broadcast %mul3A_319 : i32 to vector<16xi32>
        %mul3A_321 = arith.muli %scan3A_250#16, %mul3A_320 : vector<16xi32>
        %add3A_322 = arith.constant 3 : i32
        %add3A_323 = vector.broadcast %add3A_322 : i32 to vector<16xi32>
        %add3A_324 = arith.addi %mul3A_321, %add3A_323 : vector<16xi32>
        %select_n3A_325 = arith.select %eq3A_318, %add3A_324, %broadcast_in_dim3A_45 : vector<16xi1>, vector<16xi32>
        %min3A_326 = arith.minsi %select_n3A_301, %select_n3A_309 : vector<16xi32>
        %min3A_327 = arith.minsi %select_n3A_317, %select_n3A_325 : vector<16xi32>
        %min3A_328 = arith.minsi %min3A_326, %min3A_327 : vector<16xi32>
        %gt3A_329 = arith.cmpf ogt, %max3A_296, %broadcast_in_dim3A_35 : vector<16xf32>
        %add3A_330 = arith.constant 1 : i32
        %add3A_331 = vector.broadcast %add3A_330 : i32 to vector<16xi32>
        %add3A_332 = arith.addi %min3A_328, %add3A_331 : vector<16xi32>
        %select_n3A_333 = arith.select %gt3A_329, %add3A_332, %broadcast_in_dim3A_37 : vector<16xi1>, vector<16xi32>
        tpu.vector_store_idx %arg7[%add3A_200, %broadcast_in_dim3A_255], %select_n3A_333 : memref<64x128xi32, #tpu.memory_space<vmem>>[vector<16xi32>, vector<16xi32>], vector<16xi32>,
        tpu.vector_store_idx %arg6[%min3A_328, %add3A_200], %broadcast_in_dim3A_43 masked %gt3A_329 : memref<100x128xf32, #tpu.memory_space<vmem>>[vector<16xi32>, vector<16xi32>], vector<16xf32>, vector<16xi1>
        %add3A_334 = arith.addf %scan3A_242, %max3A_296 : vector<16xf32>
        scf.yield %add3A_293, %add3A_334 : vector<16xf32>, vector<16xf32>
      }
      %scan3A_210 = arith.constant 4 : i32
      %swap3A_211 = arith.constant 0 : index
      %swap3A_212 = tpu.vector_load %arg8[%swap3A_211] {strides = array<i32>} : memref<64xf32, #tpu.memory_space<vmem>>, vector<16xf32>,
      tpu.vector_store %arg8[%swap3A_211], %scan3A_209#0 {strides = array<i32>} : memref<64xf32, #tpu.memory_space<vmem>>, vector<16xf32>,
      %swap3A_213 = arith.constant 16 : index
      %swap3A_214 = tpu.vector_load %arg8[%swap3A_213] {strides = array<i32>} : memref<64xf32, #tpu.memory_space<vmem>>, vector<16xf32>,
      tpu.vector_store %arg8[%swap3A_213], %scan3A_209#1 {strides = array<i32>} : memref<64xf32, #tpu.memory_space<vmem>>, vector<16xf32>,
      %add3A_215 = arith.constant 32 : i32
      %add3A_216 = arith.addi %mul3A_34, %add3A_215 : i32
      %add3A_217 = arith.constant 48 : i32
      %add3A_218 = arith.addi %mul3A_34, %add3A_217 : i32
      %add3A_219 = arith.constant 32 : i32
      %add3A_220 = vector.broadcast %add3A_219 : i32 to vector<16xi32>
      %add3A_221 = arith.addi %iota3A, %add3A_220 : vector<16xi32>
      %add3A_222 = arith.constant 48 : i32
      %add3A_223 = vector.broadcast %add3A_222 : i32 to vector<16xi32>
      %add3A_224 = arith.addi %iota3A, %add3A_223 : vector<16xi32>
      %get3A_225 = arith.constant 32 : index
      %get3A_226 = tpu.vector_load %arg8[%get3A_225] {strides = array<i32>} : memref<64xf32, #tpu.memory_space<vmem>>, vector<16xf32>,
      %get3A_227 = arith.constant 48 : index
      %get3A_228 = tpu.vector_load %arg8[%get3A_227] {strides = array<i32>} : memref<64xf32, #tpu.memory_space<vmem>>, vector<16xf32>,
      %scan3A_229 = arith.constant 0 : i32
      %scan3A_230 = arith.constant 4 : i32
      %scan3A_231 = arith.addi %scan3A_229, %scan3A_230 : i32
      %scan3A_232 = arith.constant 1 : i32
      %scan3A_233:2 = scf.for %scan3A_240 = %scan3A_229 to %scan3A_231 step %scan3A_232 iter_args(%scan3A_241 = %get3A_226, %scan3A_242 = %get3A_228) -> (vector<16xf32>, vector<16xf32>)  : i32 {
        %mul3A_243 = arith.constant 100 : i32
        %mul3A_244 = arith.muli %scan3A_240, %mul3A_243 : i32
        %add3A_245 = arith.addi %mul3A_190, %mul3A_244 : i32
        %scan3A_246 = arith.constant 0 : i32
        %scan3A_247 = arith.constant 25 : i32
        %scan3A_248 = arith.addi %scan3A_246, %scan3A_247 : i32
        %scan3A_249 = arith.constant 1 : i32
        %scan3A_250:17 = scf.for %scan3A_335 = %scan3A_246 to %scan3A_248 step %scan3A_249 iter_args(%scan3A_336 = %broadcast_in_dim3A_37, %scan3A_337 = %broadcast_in_dim3A_35, %scan3A_338 = %broadcast_in_dim3A_37, %scan3A_339 = %broadcast_in_dim3A_35, %scan3A_340 = %broadcast_in_dim3A_37, %scan3A_341 = %broadcast_in_dim3A_35, %scan3A_342 = %broadcast_in_dim3A_37, %scan3A_343 = %broadcast_in_dim3A_35, %scan3A_344 = %broadcast_in_dim3A_37, %scan3A_345 = %broadcast_in_dim3A_35, %scan3A_346 = %broadcast_in_dim3A_37, %scan3A_347 = %broadcast_in_dim3A_35, %scan3A_348 = %broadcast_in_dim3A_37, %scan3A_349 = %broadcast_in_dim3A_35, %scan3A_350 = %broadcast_in_dim3A_37, %scan3A_351 = %broadcast_in_dim3A_35, %scan3A_352 = %broadcast_in_dim3A_37) -> (vector<16xi32>, vector<16xf32>, vector<16xi32>, vector<16xf32>, vector<16xi32>, vector<16xf32>, vector<16xi32>, vector<16xf32>, vector<16xi32>, vector<16xf32>, vector<16xi32>, vector<16xf32>, vector<16xi32>, vector<16xf32>, vector<16xi32>, vector<16xf32>, vector<16xi32>)  : i32 {
          %mul3A_353 = arith.constant 4 : i32
          %mul3A_354 = arith.muli %mul3A_353, %scan3A_335 : i32
          %add3A_355 = arith.addi %add3A_245, %mul3A_354 : i32
          %add3A_356 = arith.constant 0 : i32
          %add3A_357 = arith.addi %add3A_355, %add3A_356 : i32
          %get3A_358 = arith.index_cast %add3A_357 : i32 to index
          %get3A_359 = arith.index_cast %add3A_216 : i32 to index
          %get3A_360 = tpu.vector_load %arg5[%get3A_358, %get3A_359] {strides = array<i32>} : memref<800x128xf32, #tpu.memory_space<vmem>>, vector<16xf32>,
          %mul3A_361 = arith.constant 4 : i32
          %mul3A_362 = arith.muli %mul3A_361, %scan3A_335 : i32
          %add3A_363 = arith.constant 0 : i32
          %add3A_364 = arith.addi %mul3A_362, %add3A_363 : i32
          %get3A_365 = arith.index_cast %add3A_364 : i32 to index
          %get3A_366 = arith.constant 32 : index
          %get3A_367 = tpu.vector_load %arg6[%get3A_365, %get3A_366] {strides = array<i32>} : memref<100x128xf32, #tpu.memory_space<vmem>>, vector<16xf32>,
          %max3A_368 = arith.maximumf %get3A_367, %scan3A_337 : vector<16xf32>
          %gt3A_369 = arith.cmpf ogt, %get3A_360, %max3A_368 : vector<16xf32>
          %select_n3A_370 = arith.select %gt3A_369, %scan3A_336, %scan3A_338 : vector<16xi1>, vector<16xi32>
          %select_n3A_371 = arith.select %gt3A_369, %get3A_360, %scan3A_337 : vector<16xi1>, vector<16xf32>
          %get3A_372 = arith.index_cast %add3A_357 : i32 to index
          %get3A_373 = arith.index_cast %add3A_218 : i32 to index
          %get3A_374 = tpu.vector_load %arg5[%get3A_372, %get3A_373] {strides = array<i32>} : memref<800x128xf32, #tpu.memory_space<vmem>>, vector<16xf32>,
          %mul3A_375 = arith.constant 4 : i32
          %mul3A_376 = arith.muli %mul3A_375, %scan3A_335 : i32
          %add3A_377 = arith.constant 0 : i32
          %add3A_378 = arith.addi %mul3A_376, %add3A_377 : i32
          %get3A_379 = arith.index_cast %add3A_378 : i32 to index
          %get3A_380 = arith.constant 48 : index
          %get3A_381 = tpu.vector_load %arg6[%get3A_379, %get3A_380] {strides = array<i32>} : memref<100x128xf32, #tpu.memory_space<vmem>>, vector<16xf32>,
          %max3A_382 = arith.maximumf %get3A_381, %scan3A_345 : vector<16xf32>
          %gt3A_383 = arith.cmpf ogt, %get3A_374, %max3A_382 : vector<16xf32>
          %select_n3A_384 = arith.select %gt3A_383, %scan3A_336, %scan3A_346 : vector<16xi1>, vector<16xi32>
          %select_n3A_385 = arith.select %gt3A_383, %get3A_374, %scan3A_345 : vector<16xi1>, vector<16xf32>
          %mul3A_386 = arith.constant 4 : i32
          %mul3A_387 = arith.muli %mul3A_386, %scan3A_335 : i32
          %add3A_388 = arith.addi %add3A_245, %mul3A_387 : i32
          %add3A_389 = arith.constant 1 : i32
          %add3A_390 = arith.addi %add3A_388, %add3A_389 : i32
          %get3A_391 = arith.index_cast %add3A_390 : i32 to index
          %get3A_392 = arith.index_cast %add3A_216 : i32 to index
          %get3A_393 = tpu.vector_load %arg5[%get3A_391, %get3A_392] {strides = array<i32>} : memref<800x128xf32, #tpu.memory_space<vmem>>, vector<16xf32>,
          %mul3A_394 = arith.constant 4 : i32
          %mul3A_395 = arith.muli %mul3A_394, %scan3A_335 : i32
          %add3A_396 = arith.constant 1 : i32
          %add3A_397 = arith.addi %mul3A_395, %add3A_396 : i32
          %get3A_398 = arith.index_cast %add3A_397 : i32 to index
          %get3A_399 = arith.constant 32 : index
          %get3A_400 = tpu.vector_load %arg6[%get3A_398, %get3A_399] {strides = array<i32>} : memref<100x128xf32, #tpu.memory_space<vmem>>, vector<16xf32>,
          %max3A_401 = arith.maximumf %get3A_400, %scan3A_339 : vector<16xf32>
          %gt3A_402 = arith.cmpf ogt, %get3A_393, %max3A_401 : vector<16xf32>
          %select_n3A_403 = arith.select %gt3A_402, %scan3A_336, %scan3A_340 : vector<16xi1>, vector<16xi32>
          %select_n3A_404 = arith.select %gt3A_402, %get3A_393, %scan3A_339 : vector<16xi1>, vector<16xf32>
          %get3A_405 = arith.index_cast %add3A_390 : i32 to index
          %get3A_406 = arith.index_cast %add3A_218 : i32 to index
          %get3A_407 = tpu.vector_load %arg5[%get3A_405, %get3A_406] {strides = array<i32>} : memref<800x128xf32, #tpu.memory_space<vmem>>, vector<16xf32>,
          %mul3A_408 = arith.constant 4 : i32
          %mul3A_409 = arith.muli %mul3A_408, %scan3A_335 : i32
          %add3A_410 = arith.constant 1 : i32
          %add3A_411 = arith.addi %mul3A_409, %add3A_410 : i32
          %get3A_412 = arith.index_cast %add3A_411 : i32 to index
          %get3A_413 = arith.constant 48 : index
          %get3A_414 = tpu.vector_load %arg6[%get3A_412, %get3A_413] {strides = array<i32>} : memref<100x128xf32, #tpu.memory_space<vmem>>, vector<16xf32>,
          %max3A_415 = arith.maximumf %get3A_414, %scan3A_347 : vector<16xf32>
          %gt3A_416 = arith.cmpf ogt, %get3A_407, %max3A_415 : vector<16xf32>
          %select_n3A_417 = arith.select %gt3A_416, %scan3A_336, %scan3A_348 : vector<16xi1>, vector<16xi32>
          %select_n3A_418 = arith.select %gt3A_416, %get3A_407, %scan3A_347 : vector<16xi1>, vector<16xf32>
          %mul3A_419 = arith.constant 4 : i32
          %mul3A_420 = arith.muli %mul3A_419, %scan3A_335 : i32
          %add3A_421 = arith.addi %add3A_245, %mul3A_420 : i32
          %add3A_422 = arith.constant 2 : i32
          %add3A_423 = arith.addi %add3A_421, %add3A_422 : i32
          %get3A_424 = arith.index_cast %add3A_423 : i32 to index
          %get3A_425 = arith.index_cast %add3A_216 : i32 to index
          %get3A_426 = tpu.vector_load %arg5[%get3A_424, %get3A_425] {strides = array<i32>} : memref<800x128xf32, #tpu.memory_space<vmem>>, vector<16xf32>,
          %mul3A_427 = arith.constant 4 : i32
          %mul3A_428 = arith.muli %mul3A_427, %scan3A_335 : i32
          %add3A_429 = arith.constant 2 : i32
          %add3A_430 = arith.addi %mul3A_428, %add3A_429 : i32
          %get3A_431 = arith.index_cast %add3A_430 : i32 to index
          %get3A_432 = arith.constant 32 : index
          %get3A_433 = tpu.vector_load %arg6[%get3A_431, %get3A_432] {strides = array<i32>} : memref<100x128xf32, #tpu.memory_space<vmem>>, vector<16xf32>,
          %max3A_434 = arith.maximumf %get3A_433, %scan3A_341 : vector<16xf32>
          %gt3A_435 = arith.cmpf ogt, %get3A_426, %max3A_434 : vector<16xf32>
          %select_n3A_436 = arith.select %gt3A_435, %scan3A_336, %scan3A_342 : vector<16xi1>, vector<16xi32>
          %select_n3A_437 = arith.select %gt3A_435, %get3A_426, %scan3A_341 : vector<16xi1>, vector<16xf32>
          %get3A_438 = arith.index_cast %add3A_423 : i32 to index
          %get3A_439 = arith.index_cast %add3A_218 : i32 to index
          %get3A_440 = tpu.vector_load %arg5[%get3A_438, %get3A_439] {strides = array<i32>} : memref<800x128xf32, #tpu.memory_space<vmem>>, vector<16xf32>,
          %mul3A_441 = arith.constant 4 : i32
          %mul3A_442 = arith.muli %mul3A_441, %scan3A_335 : i32
          %add3A_443 = arith.constant 2 : i32
          %add3A_444 = arith.addi %mul3A_442, %add3A_443 : i32
          %get3A_445 = arith.index_cast %add3A_444 : i32 to index
          %get3A_446 = arith.constant 48 : index
          %get3A_447 = tpu.vector_load %arg6[%get3A_445, %get3A_446] {strides = array<i32>} : memref<100x128xf32, #tpu.memory_space<vmem>>, vector<16xf32>,
          %max3A_448 = arith.maximumf %get3A_447, %scan3A_349 : vector<16xf32>
          %gt3A_449 = arith.cmpf ogt, %get3A_440, %max3A_448 : vector<16xf32>
          %select_n3A_450 = arith.select %gt3A_449, %scan3A_336, %scan3A_350 : vector<16xi1>, vector<16xi32>
          %select_n3A_451 = arith.select %gt3A_449, %get3A_440, %scan3A_349 : vector<16xi1>, vector<16xf32>
          %mul3A_452 = arith.constant 4 : i32
          %mul3A_453 = arith.muli %mul3A_452, %scan3A_335 : i32
          %add3A_454 = arith.addi %add3A_245, %mul3A_453 : i32
          %add3A_455 = arith.constant 3 : i32
          %add3A_456 = arith.addi %add3A_454, %add3A_455 : i32
          %get3A_457 = arith.index_cast %add3A_456 : i32 to index
          %get3A_458 = arith.index_cast %add3A_216 : i32 to index
          %get3A_459 = tpu.vector_load %arg5[%get3A_457, %get3A_458] {strides = array<i32>} : memref<800x128xf32, #tpu.memory_space<vmem>>, vector<16xf32>,
          %mul3A_460 = arith.constant 4 : i32
          %mul3A_461 = arith.muli %mul3A_460, %scan3A_335 : i32
          %add3A_462 = arith.constant 3 : i32
          %add3A_463 = arith.addi %mul3A_461, %add3A_462 : i32
          %get3A_464 = arith.index_cast %add3A_463 : i32 to index
          %get3A_465 = arith.constant 32 : index
          %get3A_466 = tpu.vector_load %arg6[%get3A_464, %get3A_465] {strides = array<i32>} : memref<100x128xf32, #tpu.memory_space<vmem>>, vector<16xf32>,
          %max3A_467 = arith.maximumf %get3A_466, %scan3A_343 : vector<16xf32>
          %gt3A_468 = arith.cmpf ogt, %get3A_459, %max3A_467 : vector<16xf32>
          %select_n3A_469 = arith.select %gt3A_468, %scan3A_336, %scan3A_344 : vector<16xi1>, vector<16xi32>
          %select_n3A_470 = arith.select %gt3A_468, %get3A_459, %scan3A_343 : vector<16xi1>, vector<16xf32>
          %get3A_471 = arith.index_cast %add3A_456 : i32 to index
          %get3A_472 = arith.index_cast %add3A_218 : i32 to index
          %get3A_473 = tpu.vector_load %arg5[%get3A_471, %get3A_472] {strides = array<i32>} : memref<800x128xf32, #tpu.memory_space<vmem>>, vector<16xf32>,
          %mul3A_474 = arith.constant 4 : i32
          %mul3A_475 = arith.muli %mul3A_474, %scan3A_335 : i32
          %add3A_476 = arith.constant 3 : i32
          %add3A_477 = arith.addi %mul3A_475, %add3A_476 : i32
          %get3A_478 = arith.index_cast %add3A_477 : i32 to index
          %get3A_479 = arith.constant 48 : index
          %get3A_480 = tpu.vector_load %arg6[%get3A_478, %get3A_479] {strides = array<i32>} : memref<100x128xf32, #tpu.memory_space<vmem>>, vector<16xf32>,
          %max3A_481 = arith.maximumf %get3A_480, %scan3A_351 : vector<16xf32>
          %gt3A_482 = arith.cmpf ogt, %get3A_473, %max3A_481 : vector<16xf32>
          %select_n3A_483 = arith.select %gt3A_482, %scan3A_336, %scan3A_352 : vector<16xi1>, vector<16xi32>
          %select_n3A_484 = arith.select %gt3A_482, %get3A_473, %scan3A_351 : vector<16xi1>, vector<16xf32>
          %add3A_485 = arith.addi %scan3A_336, %broadcast_in_dim3A_39 : vector<16xi32>
          scf.yield %add3A_485, %select_n3A_371, %select_n3A_370, %select_n3A_404, %select_n3A_403, %select_n3A_437, %select_n3A_436, %select_n3A_470, %select_n3A_469, %select_n3A_385, %select_n3A_384, %select_n3A_418, %select_n3A_417, %select_n3A_451, %select_n3A_450, %select_n3A_484, %select_n3A_483 : vector<16xi32>, vector<16xf32>, vector<16xi32>, vector<16xf32>, vector<16xi32>, vector<16xf32>, vector<16xi32>, vector<16xf32>, vector<16xi32>, vector<16xf32>, vector<16xi32>, vector<16xf32>, vector<16xi32>, vector<16xf32>, vector<16xi32>, vector<16xf32>, vector<16xi32>
        }
        %scan3A_251 = arith.constant 25 : i32
        %mul3A_252 = arith.constant 4 : i32
        %mul3A_253 = arith.muli %scan3A_148, %mul3A_252 : i32
        %add3A_254 = arith.addi %mul3A_253, %scan3A_240 : i32
        %broadcast_in_dim3A_255 = vector.broadcast %add3A_254 : i32 to vector<16xi32>
        %max3A = arith.maximumf %scan3A_250#1, %scan3A_250#3 : vector<16xf32>
        %max3A_256 = arith.maximumf %scan3A_250#5, %scan3A_250#7 : vector<16xf32>
        %max3A_257 = arith.maximumf %max3A, %max3A_256 : vector<16xf32>
        %eq3A_258 = arith.cmpf oeq, %scan3A_250#1, %max3A_257 : vector<16xf32>
        %mul3A_259 = arith.constant 4 : i32
        %mul3A_260 = vector.broadcast %mul3A_259 : i32 to vector<16xi32>
        %mul3A_261 = arith.muli %scan3A_250#2, %mul3A_260 : vector<16xi32>
        %select_n3A_262 = arith.select %eq3A_258, %mul3A_261, %broadcast_in_dim3A_45 : vector<16xi1>, vector<16xi32>
        %eq3A_263 = arith.cmpf oeq, %scan3A_250#3, %max3A_257 : vector<16xf32>
        %mul3A_264 = arith.constant 4 : i32
        %mul3A_265 = vector.broadcast %mul3A_264 : i32 to vector<16xi32>
        %mul3A_266 = arith.muli %scan3A_250#4, %mul3A_265 : vector<16xi32>
        %add3A_267 = arith.constant 1 : i32
        %add3A_268 = vector.broadcast %add3A_267 : i32 to vector<16xi32>
        %add3A_269 = arith.addi %mul3A_266, %add3A_268 : vector<16xi32>
        %select_n3A_270 = arith.select %eq3A_263, %add3A_269, %broadcast_in_dim3A_45 : vector<16xi1>, vector<16xi32>
        %eq3A_271 = arith.cmpf oeq, %scan3A_250#5, %max3A_257 : vector<16xf32>
        %mul3A_272 = arith.constant 4 : i32
        %mul3A_273 = vector.broadcast %mul3A_272 : i32 to vector<16xi32>
        %mul3A_274 = arith.muli %scan3A_250#6, %mul3A_273 : vector<16xi32>
        %add3A_275 = arith.constant 2 : i32
        %add3A_276 = vector.broadcast %add3A_275 : i32 to vector<16xi32>
        %add3A_277 = arith.addi %mul3A_274, %add3A_276 : vector<16xi32>
        %select_n3A_278 = arith.select %eq3A_271, %add3A_277, %broadcast_in_dim3A_45 : vector<16xi1>, vector<16xi32>
        %eq3A_279 = arith.cmpf oeq, %scan3A_250#7, %max3A_257 : vector<16xf32>
        %mul3A_280 = arith.constant 4 : i32
        %mul3A_281 = vector.broadcast %mul3A_280 : i32 to vector<16xi32>
        %mul3A_282 = arith.muli %scan3A_250#8, %mul3A_281 : vector<16xi32>
        %add3A_283 = arith.constant 3 : i32
        %add3A_284 = vector.broadcast %add3A_283 : i32 to vector<16xi32>
        %add3A_285 = arith.addi %mul3A_282, %add3A_284 : vector<16xi32>
        %select_n3A_286 = arith.select %eq3A_279, %add3A_285, %broadcast_in_dim3A_45 : vector<16xi1>, vector<16xi32>
        %min3A = arith.minsi %select_n3A_262, %select_n3A_270 : vector<16xi32>
        %min3A_287 = arith.minsi %select_n3A_278, %select_n3A_286 : vector<16xi32>
        %min3A_288 = arith.minsi %min3A, %min3A_287 : vector<16xi32>
        %gt3A = arith.cmpf ogt, %max3A_257, %broadcast_in_dim3A_35 : vector<16xf32>
        %add3A_289 = arith.constant 1 : i32
        %add3A_290 = vector.broadcast %add3A_289 : i32 to vector<16xi32>
        %add3A_291 = arith.addi %min3A_288, %add3A_290 : vector<16xi32>
        %select_n3A_292 = arith.select %gt3A, %add3A_291, %broadcast_in_dim3A_37 : vector<16xi1>, vector<16xi32>
        tpu.vector_store_idx %arg7[%add3A_221, %broadcast_in_dim3A_255], %select_n3A_292 : memref<64x128xi32, #tpu.memory_space<vmem>>[vector<16xi32>, vector<16xi32>], vector<16xi32>,
        tpu.vector_store_idx %arg6[%min3A_288, %add3A_221], %broadcast_in_dim3A_43 masked %gt3A : memref<100x128xf32, #tpu.memory_space<vmem>>[vector<16xi32>, vector<16xi32>], vector<16xf32>, vector<16xi1>
        %add3A_293 = arith.addf %scan3A_241, %max3A_257 : vector<16xf32>
        %max3A_294 = arith.maximumf %scan3A_250#9, %scan3A_250#11 : vector<16xf32>
        %max3A_295 = arith.maximumf %scan3A_250#13, %scan3A_250#15 : vector<16xf32>
        %max3A_296 = arith.maximumf %max3A_294, %max3A_295 : vector<16xf32>
        %eq3A_297 = arith.cmpf oeq, %scan3A_250#9, %max3A_296 : vector<16xf32>
        %mul3A_298 = arith.constant 4 : i32
        %mul3A_299 = vector.broadcast %mul3A_298 : i32 to vector<16xi32>
        %mul3A_300 = arith.muli %scan3A_250#10, %mul3A_299 : vector<16xi32>
        %select_n3A_301 = arith.select %eq3A_297, %mul3A_300, %broadcast_in_dim3A_45 : vector<16xi1>, vector<16xi32>
        %eq3A_302 = arith.cmpf oeq, %scan3A_250#11, %max3A_296 : vector<16xf32>
        %mul3A_303 = arith.constant 4 : i32
        %mul3A_304 = vector.broadcast %mul3A_303 : i32 to vector<16xi32>
        %mul3A_305 = arith.muli %scan3A_250#12, %mul3A_304 : vector<16xi32>
        %add3A_306 = arith.constant 1 : i32
        %add3A_307 = vector.broadcast %add3A_306 : i32 to vector<16xi32>
        %add3A_308 = arith.addi %mul3A_305, %add3A_307 : vector<16xi32>
        %select_n3A_309 = arith.select %eq3A_302, %add3A_308, %broadcast_in_dim3A_45 : vector<16xi1>, vector<16xi32>
        %eq3A_310 = arith.cmpf oeq, %scan3A_250#13, %max3A_296 : vector<16xf32>
        %mul3A_311 = arith.constant 4 : i32
        %mul3A_312 = vector.broadcast %mul3A_311 : i32 to vector<16xi32>
        %mul3A_313 = arith.muli %scan3A_250#14, %mul3A_312 : vector<16xi32>
        %add3A_314 = arith.constant 2 : i32
        %add3A_315 = vector.broadcast %add3A_314 : i32 to vector<16xi32>
        %add3A_316 = arith.addi %mul3A_313, %add3A_315 : vector<16xi32>
        %select_n3A_317 = arith.select %eq3A_310, %add3A_316, %broadcast_in_dim3A_45 : vector<16xi1>, vector<16xi32>
        %eq3A_318 = arith.cmpf oeq, %scan3A_250#15, %max3A_296 : vector<16xf32>
        %mul3A_319 = arith.constant 4 : i32
        %mul3A_320 = vector.broadcast %mul3A_319 : i32 to vector<16xi32>
        %mul3A_321 = arith.muli %scan3A_250#16, %mul3A_320 : vector<16xi32>
        %add3A_322 = arith.constant 3 : i32
        %add3A_323 = vector.broadcast %add3A_322 : i32 to vector<16xi32>
        %add3A_324 = arith.addi %mul3A_321, %add3A_323 : vector<16xi32>
        %select_n3A_325 = arith.select %eq3A_318, %add3A_324, %broadcast_in_dim3A_45 : vector<16xi1>, vector<16xi32>
        %min3A_326 = arith.minsi %select_n3A_301, %select_n3A_309 : vector<16xi32>
        %min3A_327 = arith.minsi %select_n3A_317, %select_n3A_325 : vector<16xi32>
        %min3A_328 = arith.minsi %min3A_326, %min3A_327 : vector<16xi32>
        %gt3A_329 = arith.cmpf ogt, %max3A_296, %broadcast_in_dim3A_35 : vector<16xf32>
        %add3A_330 = arith.constant 1 : i32
        %add3A_331 = vector.broadcast %add3A_330 : i32 to vector<16xi32>
        %add3A_332 = arith.addi %min3A_328, %add3A_331 : vector<16xi32>
        %select_n3A_333 = arith.select %gt3A_329, %add3A_332, %broadcast_in_dim3A_37 : vector<16xi1>, vector<16xi32>
        tpu.vector_store_idx %arg7[%add3A_224, %broadcast_in_dim3A_255], %select_n3A_333 : memref<64x128xi32, #tpu.memory_space<vmem>>[vector<16xi32>, vector<16xi32>], vector<16xi32>,
        tpu.vector_store_idx %arg6[%min3A_328, %add3A_224], %broadcast_in_dim3A_43 masked %gt3A_329 : memref<100x128xf32, #tpu.memory_space<vmem>>[vector<16xi32>, vector<16xi32>], vector<16xf32>, vector<16xi1>
        %add3A_334 = arith.addf %scan3A_242, %max3A_296 : vector<16xf32>
        scf.yield %add3A_293, %add3A_334 : vector<16xf32>, vector<16xf32>
      }
      %scan3A_234 = arith.constant 4 : i32
      %swap3A_235 = arith.constant 32 : index
      %swap3A_236 = tpu.vector_load %arg8[%swap3A_235] {strides = array<i32>} : memref<64xf32, #tpu.memory_space<vmem>>, vector<16xf32>,
      tpu.vector_store %arg8[%swap3A_235], %scan3A_233#0 {strides = array<i32>} : memref<64xf32, #tpu.memory_space<vmem>>, vector<16xf32>,
      %swap3A_237 = arith.constant 48 : index
      %swap3A_238 = tpu.vector_load %arg8[%swap3A_237] {strides = array<i32>} : memref<64xf32, #tpu.memory_space<vmem>>, vector<16xf32>,
      tpu.vector_store %arg8[%swap3A_237], %scan3A_233#1 {strides = array<i32>} : memref<64xf32, #tpu.memory_space<vmem>>, vector<16xf32>,
      %scan3A_239 = arith.constant 0 : i32
      scf.yield %scan3A_239 : i32
    }
    %scan3A_116 = arith.constant 25 : i32
    %add3A_117 = arith.addi %mul3A_18, %mul3A_34 : i32
    %add3A_118 = arith.constant 0 : i32
    %add3A_119 = arith.addi %add3A_117, %add3A_118 : i32
    %get3A = arith.constant 0 : index
    %get3A_120 = tpu.vector_load %arg8[%get3A] {strides = array<i32>} : memref<64xf32, #tpu.memory_space<vmem>>, vector<16xf32>,
    %sub3A_121 = arith.subf %broadcast_in_dim3A_35, %get3A_120 : vector<16xf32>
    %swap3A_122 = arith.constant 0 : index
    %swap3A_123 = tpu.vector_load %arg8[%swap3A_122] {strides = array<i32>} : memref<64xf32, #tpu.memory_space<vmem>>, vector<16xf32>,
    tpu.vector_store %arg8[%swap3A_122], %sub3A_121 {strides = array<i32>} : memref<64xf32, #tpu.memory_space<vmem>>, vector<16xf32>,
    "tpu.region"() ({
      %run_scoped3A = tpu.sem_alloc : memref<!tpu.dma_semaphore, #tpu.memory_space<semaphore_mem>>
      %dma_start3A_148 = arith.constant 0 : i32
      %dma_start3A_149 = arith.constant 0 : i32
      %dma_start3A_150 = tpu.memref_slice %arg7[%dma_start3A_148, %dma_start3A_149] : memref<64x128xi32, #tpu.memory_space<vmem>> -> memref<16x128xi32, #tpu.memory_space<vmem>>
      %dma_start3A_151 = arith.constant 0 : i32
      %dma_start3A_152 = tpu.memref_slice %arg4[%add3A_119, %dma_start3A_151] : memref<2048x128xi32, #tpu.memory_space<hbm>> -> memref<16x128xi32, #tpu.memory_space<hbm>>
      %dma_start3A_153 = arith.constant 0 : i32
      %dma_start3A_154 = tpu.memref_slice %arg4[%add3A_119, %dma_start3A_153] : memref<2048x128xi32, #tpu.memory_space<hbm>> -> memref<16x128xi32, #tpu.memory_space<hbm>>
      %dma_start3A_155 = arith.constant 0 : i32
      %dma_start3A_156 = arith.constant 0 : i32
      %dma_start3A_157 = tpu.memref_slice %arg7[%dma_start3A_155, %dma_start3A_156] : memref<64x128xi32, #tpu.memory_space<vmem>> -> memref<16x128xi32, #tpu.memory_space<vmem>>
      tpu.enqueue_dma source(%dma_start3A_157 : memref<16x128xi32, #tpu.memory_space<vmem>>) target(%dma_start3A_154 : memref<16x128xi32, #tpu.memory_space<hbm>>) target_semaphore(%run_scoped3A : memref<!tpu.dma_semaphore, #tpu.memory_space<semaphore_mem>>)
      %dma_wait3A = arith.constant 0 : i32
      %dma_wait3A_158 = arith.constant 0 : i32
      %dma_wait3A_159 = tpu.memref_slice %arg7[%dma_wait3A, %dma_wait3A_158] : memref<64x128xi32, #tpu.memory_space<vmem>> -> memref<16x128xi32, #tpu.memory_space<vmem>>
      %dma_wait3A_160 = arith.constant 0 : i32
      %dma_wait3A_161 = tpu.memref_slice %arg4[%add3A_119, %dma_wait3A_160] : memref<2048x128xi32, #tpu.memory_space<hbm>> -> memref<16x128xi32, #tpu.memory_space<hbm>>
      %dma_wait3A_162 = arith.constant 0 : i32
      %dma_wait3A_163 = tpu.memref_slice %arg4[%add3A_119, %dma_wait3A_162] : memref<2048x128xi32, #tpu.memory_space<hbm>> -> memref<16x128xi32, #tpu.memory_space<hbm>>
      %dma_wait3A_164 = arith.constant 0 : i32
      %dma_wait3A_165 = arith.constant 0 : i32
      %dma_wait3A_166 = tpu.memref_slice %arg7[%dma_wait3A_164, %dma_wait3A_165] : memref<64x128xi32, #tpu.memory_space<vmem>> -> memref<16x128xi32, #tpu.memory_space<vmem>>
      tpu.wait_dma2 semaphore(%run_scoped3A : memref<!tpu.dma_semaphore, #tpu.memory_space<semaphore_mem>>) src(%dma_wait3A_166 : memref<16x128xi32, #tpu.memory_space<vmem>>) dst(%dma_wait3A_163 : memref<16x128xi32, #tpu.memory_space<hbm>>)
      tpu.yield
    }) : () -> ()
    %add3A_124 = arith.addi %mul3A_18, %mul3A_34 : i32
    %add3A_125 = arith.constant 16 : i32
    %add3A_126 = arith.addi %add3A_124, %add3A_125 : i32
    %get3A_127 = arith.constant 16 : index
    %get3A_128 = tpu.vector_load %arg8[%get3A_127] {strides = array<i32>} : memref<64xf32, #tpu.memory_space<vmem>>, vector<16xf32>,
    %sub3A_129 = arith.subf %broadcast_in_dim3A_35, %get3A_128 : vector<16xf32>
    %swap3A_130 = arith.constant 16 : index
    %swap3A_131 = tpu.vector_load %arg8[%swap3A_130] {strides = array<i32>} : memref<64xf32, #tpu.memory_space<vmem>>, vector<16xf32>,
    tpu.vector_store %arg8[%swap3A_130], %sub3A_129 {strides = array<i32>} : memref<64xf32, #tpu.memory_space<vmem>>, vector<16xf32>,
    "tpu.region"() ({
      %run_scoped3A = tpu.sem_alloc : memref<!tpu.dma_semaphore, #tpu.memory_space<semaphore_mem>>
      %dma_start3A_148 = arith.constant 16 : i32
      %dma_start3A_149 = arith.constant 0 : i32
      %dma_start3A_150 = tpu.memref_slice %arg7[%dma_start3A_148, %dma_start3A_149] : memref<64x128xi32, #tpu.memory_space<vmem>> -> memref<16x128xi32, #tpu.memory_space<vmem>>
      %dma_start3A_151 = arith.constant 0 : i32
      %dma_start3A_152 = tpu.memref_slice %arg4[%add3A_126, %dma_start3A_151] : memref<2048x128xi32, #tpu.memory_space<hbm>> -> memref<16x128xi32, #tpu.memory_space<hbm>>
      %dma_start3A_153 = arith.constant 0 : i32
      %dma_start3A_154 = tpu.memref_slice %arg4[%add3A_126, %dma_start3A_153] : memref<2048x128xi32, #tpu.memory_space<hbm>> -> memref<16x128xi32, #tpu.memory_space<hbm>>
      %dma_start3A_155 = arith.constant 16 : i32
      %dma_start3A_156 = arith.constant 0 : i32
      %dma_start3A_157 = tpu.memref_slice %arg7[%dma_start3A_155, %dma_start3A_156] : memref<64x128xi32, #tpu.memory_space<vmem>> -> memref<16x128xi32, #tpu.memory_space<vmem>>
      tpu.enqueue_dma source(%dma_start3A_157 : memref<16x128xi32, #tpu.memory_space<vmem>>) target(%dma_start3A_154 : memref<16x128xi32, #tpu.memory_space<hbm>>) target_semaphore(%run_scoped3A : memref<!tpu.dma_semaphore, #tpu.memory_space<semaphore_mem>>)
      %dma_wait3A = arith.constant 16 : i32
      %dma_wait3A_158 = arith.constant 0 : i32
      %dma_wait3A_159 = tpu.memref_slice %arg7[%dma_wait3A, %dma_wait3A_158] : memref<64x128xi32, #tpu.memory_space<vmem>> -> memref<16x128xi32, #tpu.memory_space<vmem>>
      %dma_wait3A_160 = arith.constant 0 : i32
      %dma_wait3A_161 = tpu.memref_slice %arg4[%add3A_126, %dma_wait3A_160] : memref<2048x128xi32, #tpu.memory_space<hbm>> -> memref<16x128xi32, #tpu.memory_space<hbm>>
      %dma_wait3A_162 = arith.constant 0 : i32
      %dma_wait3A_163 = tpu.memref_slice %arg4[%add3A_126, %dma_wait3A_162] : memref<2048x128xi32, #tpu.memory_space<hbm>> -> memref<16x128xi32, #tpu.memory_space<hbm>>
      %dma_wait3A_164 = arith.constant 16 : i32
      %dma_wait3A_165 = arith.constant 0 : i32
      %dma_wait3A_166 = tpu.memref_slice %arg7[%dma_wait3A_164, %dma_wait3A_165] : memref<64x128xi32, #tpu.memory_space<vmem>> -> memref<16x128xi32, #tpu.memory_space<vmem>>
      tpu.wait_dma2 semaphore(%run_scoped3A : memref<!tpu.dma_semaphore, #tpu.memory_space<semaphore_mem>>) src(%dma_wait3A_166 : memref<16x128xi32, #tpu.memory_space<vmem>>) dst(%dma_wait3A_163 : memref<16x128xi32, #tpu.memory_space<hbm>>)
      tpu.yield
    }) : () -> ()
    %add3A_132 = arith.addi %mul3A_18, %mul3A_34 : i32
    %add3A_133 = arith.constant 32 : i32
    %add3A_134 = arith.addi %add3A_132, %add3A_133 : i32
    %get3A_135 = arith.constant 32 : index
    %get3A_136 = tpu.vector_load %arg8[%get3A_135] {strides = array<i32>} : memref<64xf32, #tpu.memory_space<vmem>>, vector<16xf32>,
    %sub3A_137 = arith.subf %broadcast_in_dim3A_35, %get3A_136 : vector<16xf32>
    %swap3A_138 = arith.constant 32 : index
    %swap3A_139 = tpu.vector_load %arg8[%swap3A_138] {strides = array<i32>} : memref<64xf32, #tpu.memory_space<vmem>>, vector<16xf32>,
    tpu.vector_store %arg8[%swap3A_138], %sub3A_137 {strides = array<i32>} : memref<64xf32, #tpu.memory_space<vmem>>, vector<16xf32>,
    "tpu.region"() ({
      %run_scoped3A = tpu.sem_alloc : memref<!tpu.dma_semaphore, #tpu.memory_space<semaphore_mem>>
      %dma_start3A_148 = arith.constant 32 : i32
      %dma_start3A_149 = arith.constant 0 : i32
      %dma_start3A_150 = tpu.memref_slice %arg7[%dma_start3A_148, %dma_start3A_149] : memref<64x128xi32, #tpu.memory_space<vmem>> -> memref<16x128xi32, #tpu.memory_space<vmem>>
      %dma_start3A_151 = arith.constant 0 : i32
      %dma_start3A_152 = tpu.memref_slice %arg4[%add3A_134, %dma_start3A_151] : memref<2048x128xi32, #tpu.memory_space<hbm>> -> memref<16x128xi32, #tpu.memory_space<hbm>>
      %dma_start3A_153 = arith.constant 0 : i32
      %dma_start3A_154 = tpu.memref_slice %arg4[%add3A_134, %dma_start3A_153] : memref<2048x128xi32, #tpu.memory_space<hbm>> -> memref<16x128xi32, #tpu.memory_space<hbm>>
      %dma_start3A_155 = arith.constant 32 : i32
      %dma_start3A_156 = arith.constant 0 : i32
      %dma_start3A_157 = tpu.memref_slice %arg7[%dma_start3A_155, %dma_start3A_156] : memref<64x128xi32, #tpu.memory_space<vmem>> -> memref<16x128xi32, #tpu.memory_space<vmem>>
      tpu.enqueue_dma source(%dma_start3A_157 : memref<16x128xi32, #tpu.memory_space<vmem>>) target(%dma_start3A_154 : memref<16x128xi32, #tpu.memory_space<hbm>>) target_semaphore(%run_scoped3A : memref<!tpu.dma_semaphore, #tpu.memory_space<semaphore_mem>>)
      %dma_wait3A = arith.constant 32 : i32
      %dma_wait3A_158 = arith.constant 0 : i32
      %dma_wait3A_159 = tpu.memref_slice %arg7[%dma_wait3A, %dma_wait3A_158] : memref<64x128xi32, #tpu.memory_space<vmem>> -> memref<16x128xi32, #tpu.memory_space<vmem>>
      %dma_wait3A_160 = arith.constant 0 : i32
      %dma_wait3A_161 = tpu.memref_slice %arg4[%add3A_134, %dma_wait3A_160] : memref<2048x128xi32, #tpu.memory_space<hbm>> -> memref<16x128xi32, #tpu.memory_space<hbm>>
      %dma_wait3A_162 = arith.constant 0 : i32
      %dma_wait3A_163 = tpu.memref_slice %arg4[%add3A_134, %dma_wait3A_162] : memref<2048x128xi32, #tpu.memory_space<hbm>> -> memref<16x128xi32, #tpu.memory_space<hbm>>
      %dma_wait3A_164 = arith.constant 32 : i32
      %dma_wait3A_165 = arith.constant 0 : i32
      %dma_wait3A_166 = tpu.memref_slice %arg7[%dma_wait3A_164, %dma_wait3A_165] : memref<64x128xi32, #tpu.memory_space<vmem>> -> memref<16x128xi32, #tpu.memory_space<vmem>>
      tpu.wait_dma2 semaphore(%run_scoped3A : memref<!tpu.dma_semaphore, #tpu.memory_space<semaphore_mem>>) src(%dma_wait3A_166 : memref<16x128xi32, #tpu.memory_space<vmem>>) dst(%dma_wait3A_163 : memref<16x128xi32, #tpu.memory_space<hbm>>)
      tpu.yield
    }) : () -> ()
    %add3A_140 = arith.addi %mul3A_18, %mul3A_34 : i32
    %add3A_141 = arith.constant 48 : i32
    %add3A_142 = arith.addi %add3A_140, %add3A_141 : i32
    %get3A_143 = arith.constant 48 : index
    %get3A_144 = tpu.vector_load %arg8[%get3A_143] {strides = array<i32>} : memref<64xf32, #tpu.memory_space<vmem>>, vector<16xf32>,
    %sub3A_145 = arith.subf %broadcast_in_dim3A_35, %get3A_144 : vector<16xf32>
    %swap3A_146 = arith.constant 48 : index
    %swap3A_147 = tpu.vector_load %arg8[%swap3A_146] {strides = array<i32>} : memref<64xf32, #tpu.memory_space<vmem>>, vector<16xf32>,
    tpu.vector_store %arg8[%swap3A_146], %sub3A_145 {strides = array<i32>} : memref<64xf32, #tpu.memory_space<vmem>>, vector<16xf32>,
    "tpu.region"() ({
      %run_scoped3A = tpu.sem_alloc : memref<!tpu.dma_semaphore, #tpu.memory_space<semaphore_mem>>
      %dma_start3A_148 = arith.constant 48 : i32
      %dma_start3A_149 = arith.constant 0 : i32
      %dma_start3A_150 = tpu.memref_slice %arg7[%dma_start3A_148, %dma_start3A_149] : memref<64x128xi32, #tpu.memory_space<vmem>> -> memref<16x128xi32, #tpu.memory_space<vmem>>
      %dma_start3A_151 = arith.constant 0 : i32
      %dma_start3A_152 = tpu.memref_slice %arg4[%add3A_142, %dma_start3A_151] : memref<2048x128xi32, #tpu.memory_space<hbm>> -> memref<16x128xi32, #tpu.memory_space<hbm>>
      %dma_start3A_153 = arith.constant 0 : i32
      %dma_start3A_154 = tpu.memref_slice %arg4[%add3A_142, %dma_start3A_153] : memref<2048x128xi32, #tpu.memory_space<hbm>> -> memref<16x128xi32, #tpu.memory_space<hbm>>
      %dma_start3A_155 = arith.constant 48 : i32
      %dma_start3A_156 = arith.constant 0 : i32
      %dma_start3A_157 = tpu.memref_slice %arg7[%dma_start3A_155, %dma_start3A_156] : memref<64x128xi32, #tpu.memory_space<vmem>> -> memref<16x128xi32, #tpu.memory_space<vmem>>
      tpu.enqueue_dma source(%dma_start3A_157 : memref<16x128xi32, #tpu.memory_space<vmem>>) target(%dma_start3A_154 : memref<16x128xi32, #tpu.memory_space<hbm>>) target_semaphore(%run_scoped3A : memref<!tpu.dma_semaphore, #tpu.memory_space<semaphore_mem>>)
      %dma_wait3A = arith.constant 48 : i32
      %dma_wait3A_158 = arith.constant 0 : i32
      %dma_wait3A_159 = tpu.memref_slice %arg7[%dma_wait3A, %dma_wait3A_158] : memref<64x128xi32, #tpu.memory_space<vmem>> -> memref<16x128xi32, #tpu.memory_space<vmem>>
      %dma_wait3A_160 = arith.constant 0 : i32
      %dma_wait3A_161 = tpu.memref_slice %arg4[%add3A_142, %dma_wait3A_160] : memref<2048x128xi32, #tpu.memory_space<hbm>> -> memref<16x128xi32, #tpu.memory_space<hbm>>
      %dma_wait3A_162 = arith.constant 0 : i32
      %dma_wait3A_163 = tpu.memref_slice %arg4[%add3A_142, %dma_wait3A_162] : memref<2048x128xi32, #tpu.memory_space<hbm>> -> memref<16x128xi32, #tpu.memory_space<hbm>>
      %dma_wait3A_164 = arith.constant 48 : i32
      %dma_wait3A_165 = arith.constant 0 : i32
      %dma_wait3A_166 = tpu.memref_slice %arg7[%dma_wait3A_164, %dma_wait3A_165] : memref<64x128xi32, #tpu.memory_space<vmem>> -> memref<16x128xi32, #tpu.memory_space<vmem>>
      tpu.wait_dma2 semaphore(%run_scoped3A : memref<!tpu.dma_semaphore, #tpu.memory_space<semaphore_mem>>) src(%dma_wait3A_166 : memref<16x128xi32, #tpu.memory_space<vmem>>) dst(%dma_wait3A_163 : memref<16x128xi32, #tpu.memory_space<hbm>>)
      tpu.yield
    }) : () -> ()
    "tpu.region"() ({
      %run_scoped3A = tpu.sem_alloc : memref<!tpu.dma_semaphore, #tpu.memory_space<semaphore_mem>>
      %dma_start3A_148 = arith.constant 0 : i32
      %dma_start3A_149 = tpu.memref_slice %arg3[%add3A, %dma_start3A_148] : memref<32x64xf32, #tpu.memory_space<hbm>> -> memref<1x64xf32, #tpu.memory_space<hbm>>
      %dma_start3A_150 = tpu.memref_squeeze %dma_start3A_149 : memref<1x64xf32, #tpu.memory_space<hbm>> -> memref<64xf32, #tpu.memory_space<hbm>>
      %dma_start3A_151 = arith.constant 0 : i32
      %dma_start3A_152 = tpu.memref_slice %arg3[%add3A, %dma_start3A_151] : memref<32x64xf32, #tpu.memory_space<hbm>> -> memref<1x64xf32, #tpu.memory_space<hbm>>
      %dma_start3A_153 = tpu.memref_squeeze %dma_start3A_152 : memref<1x64xf32, #tpu.memory_space<hbm>> -> memref<64xf32, #tpu.memory_space<hbm>>
      tpu.enqueue_dma source(%arg8 : memref<64xf32, #tpu.memory_space<vmem>>) target(%dma_start3A_153 : memref<64xf32, #tpu.memory_space<hbm>>) target_semaphore(%run_scoped3A : memref<!tpu.dma_semaphore, #tpu.memory_space<semaphore_mem>>)
      %dma_wait3A = arith.constant 0 : i32
      %dma_wait3A_154 = tpu.memref_slice %arg3[%add3A, %dma_wait3A] : memref<32x64xf32, #tpu.memory_space<hbm>> -> memref<1x64xf32, #tpu.memory_space<hbm>>
      %dma_wait3A_155 = tpu.memref_squeeze %dma_wait3A_154 : memref<1x64xf32, #tpu.memory_space<hbm>> -> memref<64xf32, #tpu.memory_space<hbm>>
      %dma_wait3A_156 = arith.constant 0 : i32
      %dma_wait3A_157 = tpu.memref_slice %arg3[%add3A, %dma_wait3A_156] : memref<32x64xf32, #tpu.memory_space<hbm>> -> memref<1x64xf32, #tpu.memory_space<hbm>>
      %dma_wait3A_158 = tpu.memref_squeeze %dma_wait3A_157 : memref<1x64xf32, #tpu.memory_space<hbm>> -> memref<64xf32, #tpu.memory_space<hbm>>
      tpu.wait_dma2 semaphore(%run_scoped3A : memref<!tpu.dma_semaphore, #tpu.memory_space<semaphore_mem>>) src(%arg8 : memref<64xf32, #tpu.memory_space<vmem>>) dst(%dma_wait3A_158 : memref<64xf32, #tpu.memory_space<hbm>>)
      tpu.yield
    }) : () -> ()
    return
  }
}

</mosaic_0001>

<sc_bundles>
// kernel: greedy_thresh_sc.3.cloned.1.call-start
scs
__scs_entry_jumppad:
0x0: {  	(pc) =	sbr.rel $0x88, $3  }
0x1: {  	(tag) =	ssettag $0x0;
	lr =	simm.s32 $0x1  }
0x2: {  	[smem:$0x3FA0] =	sst lr;
	_ =	strace $0xD0000000  }
0x3: {  	_ = 	snop  }
0x4: {  	_ = 	snop  }
0x5: {  	_ = 	snop  }
0x6: {  	_ = 	snop  }
0x7: {  	_ = 	snop  }
__scs_overlays_trampoline_lowered:
0x8: {  	[smem:$0x3FAF] =	sst s0  }
0x9: {  	[smem:$0x3FB0] =	sst s1  }
0xa: {  	[smem:$0x3FB1] =	sst s2  }
0xb: {  	[smem:$0x3FB2] =	sst s3  }
0xc: {  	[smem:$0x3FB3] =	sst s4  }
0xd: {  	[smem:$0x3FB4] =	sst s5  }
0xe: {  	[smem:$0x3FB5] =	sst s6  }
0xf: {  	[smem:$0x3FB6] =	sst s7  }
0x10: {  	[smem:$0x3FB7] =	sst s8  }
0x11: {  	[smem:$0x3FB8] =	sst s9;
	s0 =	simm.s32 @!p0 $0x0  }
0x12: {  	s1 =	sld [smem:$0x3F9E];
	s0 =	simm.s32 @p0 $0x1  }
0x13: {  	[smem:$0x3FB9] =	sst s0;
	s0 =	simm.s32 @!p1 $0x0  }
0x14: {  	s2 =	sld [smem:$0x3F9D];
	s0 =	simm.s32 @p1 $0x1  }
0x15: {  	[smem:$0x3FBA] =	sst s0;
	s0 =	simm.s32 @!p2 $0x0  }
0x16: {  	s3 =	sld [smem:$0x3FDB];
	s0 =	simm.s32 @p2 $0x1  }
0x17: {  	s4 =	simm.s32 $0x1BF5;
	[smem:$0x3FBC] =	sst s0  }
0x18: {  	s0 =	sld [smem:$0x3F9F];
	_ =	swait.ge [sflag:s4], $0x0  }
0x19: {  	s7 =	sld [smem:$0x3FA0]  }
0x1a: {  	s8 =	sadd.s32 $0xFFFFE003, lr  }
0x1b: {  	s9 =	sadd.s32 $0xFFFFFEF7, lr;
	s5 =	simm.s32 $0xFFFFFFFF;
	p2 =	slt.u32 s8, $0xFFFFF086  }
0x1c: {  	p1 =	slt.u32 s9, $0xF7A;
	s5 =	simm.s32 @!p2 $0x0  }
0x1d: {  	s5 =	simm.s32 @p1 $0x1;
	p0 =	seq.s32 s7, s2  }
0x1e: {  	s7 =	smul.u32 @!p0 $0xF7A, s2;
	p2 =	seq.s32 @!p0 s5, $0x0  }
0x1f: {  	s9 =	smul.u32 $0xF7A, s1;
	s8 =	simm.s32 @!p0 $0x1BF5;
	p2 =	por !p2, p0  }
0x20: {  	[sflag:s8] =	ssyncset.s32 @!p0 $0xFFFFF086;
	s6 =	sadd.s32 @!p0 s3, s7;
	s7 =	simm.s32 @!p0 $0x108  }
0x21: {  	s3 =	sadd.s32 s3, s9;
	s6 =	sadd.s32 @!p0 $0x88, s6;
	s7 =	simm.s32 @p2 $0x1082  }
0x22: {  	[simem:s7], [sflag:s8] =	dma.local @!p0 [hbm:s6], $0xF7A  }
0x23: {  	s9 =	sor.u32 $0xD0000000, s2;
	s6 =	simm.s32 $0x108;
	_ =	swait.ge @!p0 [sflag:s8], $0x0  }
0x24: {  	s3 =	sadd.s32 $0x88, s3;
	s6 =	simm.s32 @!p1 $0x1082;
	[sflag:s4] =	ssyncset.s32 $0xFFFFF086  }
0x25: {  	[simem:s6], [sflag:s4] =	dma.local [hbm:s3], $0xF7A  }
0x26: {  	[smem:$0x3FA0] =	sst s1;
	(tag) =	ssettag s2;
	_ =	strace s9  }
0x27: {  	s1 =	sld [smem:$0x3FB0]  }
0x28: {  	s2 =	sld [smem:$0x3FB1]  }
0x29: {  	s4 =	sld [smem:$0x3FB3]  }
0x2a: {  	p0 =	seq.s32 s5, $0x0;
	s5 =	sld [smem:$0x3FB4]  }
0x2b: {  	s6 =	sld [smem:$0x3FB5]  }
0x2c: {  	s7 =	sld [smem:$0x3FB6]  }
0x2d: {  	s3 =	simm.s32 $0x108;
	s8 =	sld [smem:$0x3FB7]  }
0x2e: {  	s3 =	simm.s32 @!p0 $0x1082;
	s9 =	sld [smem:$0x3FB8]  }
0x2f: {  	lr =	sadd.s32 s0, s3;
	s0 =	sld [smem:$0x3FAF]  }
0x30: {  	s3 =	sld [smem:$0x3FB2]  }
0x31: {  	[smem:$0x3FBB] =	sst s10  }
0x32: {  	s10 =	sld [smem:$0x3FB9];
	_ =	sdelay $0x3  }
0x33: {  	p0 =	seq.s32 s10, $0x1;
	s10 =	sld [smem:$0x3FBB];
	_ =	sdelay $0x3  }
0x34: {  	[smem:$0x3FBB] =	sst s10  }
0x35: {  	s10 =	sld [smem:$0x3FBA];
	_ =	sdelay $0x3  }
0x36: {  	p1 =	seq.s32 s10, $0x1;
	s10 =	sld [smem:$0x3FBB];
	_ =	sdelay $0x3  }
0x37: {  	[smem:$0x3FBB] =	sst s10  }
0x38: {  	s10 =	sld [smem:$0x3FBC]  }
0x39: {  	_ = 	snop;
	(pc) =	sbr.ind lr, $3  }
0x3a: {  	_ = 	snop  }
0x3b: {  	_ = 	snop  }
0x3c: {  	p2 =	seq.s32 s10, $0x1;
	s10 =	sld [smem:$0x3FBB]  }
0x3d: {  	_ =	shalt  }
0x3e: {  	_ =	shalt  }
0x3f: {  	_ =	shalt  }
0x40: {  	_ =	shalt  }
0x41: {  	_ =	shalt  }
0x42: {  	_ =	shalt  }
0x43: {  	_ =	shalt  }
0x44: {  	_ =	shalt  }
0x45: {  	_ =	shalt  }
0x46: {  	_ =	shalt  }
0x47: {  	_ =	shalt  }
0x48: {  	_ =	shalt  }
0x49: {  	_ =	shalt  }
0x4a: {  	_ =	shalt  }
0x4b: {  	_ =	shalt  }
0x4c: {  	_ =	shalt  }
0x4d: {  	_ =	shalt  }
0x4e: {  	_ =	shalt  }
0x4f: {  	_ =	shalt  }
0x50: {  	_ =	shalt  }
0x51: {  	_ =	shalt  }
0x52: {  	_ =	shalt  }
0x53: {  	_ =	shalt  }
0x54: {  	_ =	shalt  }
0x55: {  	_ =	shalt  }
0x56: {  	_ =	shalt  }
0x57: {  	_ =	shalt  }
0x58: {  	_ =	shalt  }
0x59: {  	_ =	shalt  }
0x5a: {  	_ =	shalt  }
0x5b: {  	_ =	shalt  }
0x5c: {  	_ =	shalt  }
0x5d: {  	_ =	shalt  }
0x5e: {  	_ =	shalt  }
0x5f: {  	_ =	shalt  }
0x60: {  	_ =	shalt  }
0x61: {  	_ =	shalt  }
0x62: {  	_ =	shalt  }
0x63: {  	_ =	shalt  }
0x64: {  	_ =	shalt  }
0x65: {  	_ =	shalt  }
0x66: {  	_ =	shalt  }
0x67: {  	_ =	shalt  }
0x68: {  	_ =	shalt  }
0x69: {  	_ =	shalt  }
0x6a: {  	_ =	shalt  }
0x6b: {  	_ =	shalt  }
0x6c: {  	_ =	shalt  }
0x6d: {  	_ =	shalt  }
0x6e: {  	_ =	shalt  }
0x6f: {  	_ =	shalt  }
0x70: {  	_ =	shalt  }
0x71: {  	_ =	shalt  }
0x72: {  	_ =	shalt  }
0x73: {  	_ =	shalt  }
0x74: {  	_ =	shalt  }
0x75: {  	_ =	shalt  }
0x76: {  	_ =	shalt  }
0x77: {  	_ =	shalt  }
0x78: {  	_ =	shalt  }
0x79: {  	_ =	shalt  }
0x7a: {  	_ =	shalt  }
0x7b: {  	_ =	shalt  }
0x7c: {  	_ =	shalt  }
0x7d: {  	_ =	shalt  }
0x7e: {  	_ =	shalt  }
0x7f: {  	_ =	shalt  }
0x80: {  	_ =	shalt  }
0x81: {  	_ =	shalt  }
0x82: {  	_ =	shalt  }
0x83: {  	_ =	shalt  }
0x84: {  	_ =	shalt  }
0x85: {  	_ =	shalt  }
0x86: {  	_ =	shalt  }
0x87: {  	_ =	shalt  }
.Lfunc_end0:
.L_simem_size_0:
called_computation_lowered:
.L_overlay_start_0:
0x88: {  	s2 =	sld [smem:$0x3FD9]  }
0x89: {  	s3 =	sld [smem:$0x3FFE];
	_ =	sdelay $0x1  }
0x8a: {  	s1 =	srdreg.scid  }
0x8b: {  	s0 =	sand.u32 $0x1, s1  }
0x8c: {  	s14 =	sshll.u32 s0, $0xA;
	s2 =	sadd.s32 s3, s2  }
0x8d: {  	s2 =	sadd.s32 s2, s14  }
0x8e: {  	[smem:$0x3FC7] =	sst s2  }
0x8f: {  	_ = 	snop  }
0x90: {  	s2 =	sld [smem:$0x3FD0];
	_ =	sdelay $0x2  }
0x91: {  	s4 =	simm.s32 $0xA;
	s5 =	simm.s32 $0x10;
	s15 =	sld [smem:$0x3FC9]  }
0x92: {  	[smem:s5], [sflag:s4] =	dma.local [hbm:s2], $0x1  }
0x93: {  	_ =	swait.eq [sflag:s4], $0x1  }
0x94: {  	[sflag:s4] =	ssyncset.done $0x0  }
0x95: {  	[sflag:s4] =	ssyncadd.s32 $0xFFFFFFFF  }
0x96: {  	s16 =	sld [smem:$0x11];
	(tm) =	ssettm $0x1  }
0x97: {  	s17 =	sld [smem:$0x3FFB];
	_ =	sdelay $0x3  }
0x98: {  	_ =	strace s17  }
0x99: {  	s4 =	sld [smem:$0x3FFC];
	_ =	sdelay $0x3  }
0x9a: {  	_ =	strace s4  }
0x9b: {  	s4 =	sld [smem:$0x3FFD];
	_ =	sdelay $0x3  }
0x9c: {  	_ =	strace s4  }
0x9d: {  	_ =	strace $0x8FFFFFFF  }
0x9e: {  	s18 =	sld [smem:$0x3FDB];
	_ =	sdelay $0x1  }
0x9f: {  	s19 =	simm.s32 $_scs_section_size  }
0xa0: {  	s6 =	simm.s32 $_size__tile_overlayer_lowered;
	s7 =	simm.s32 $_tile_overlayer_lowered  }
0xa1: {  	s22 =	simm.s32 $0x1BFF;
	s21 =	sshll.u32 s7, $0x1;
	s4 =	sadd.s32 s19, s18  }
0xa2: {  	s8 =	simm.s32 $0x0;
	s20 =	sshll.u32 s6, $0x1;
	s6 =	sadd.s32 s21, s4  }
0xa3: {  	[timem:s8], [sflag:s22] =	dma.local [hbm:s6], s20  }
0xa4: {  	_ =	swait.ge [sflag:s22], s20  }
0xa5: {  	s5 =	ssub.s32 $0x0, s20;
	[sflag:s22] =	ssyncset.done $0x0  }
0xa6: {  	[sflag:s22] =	ssyncadd.s32 s5;
	_ =	sdelay $0x1  }
0xa7: {  	s23 =	simm.s32 $0x1B8B  }
0xa8: {  	_ =	swait.ge [sflag:s23], $0x1  }
0xa9: {  	[sflag:s23] =	ssyncset.done $0x0  }
0xaa: {  	s25 =	simm.s32 $0x1B8E;
	s24 =	sld [smem:$0x3FFE];
	[sflag:s23] =	ssyncadd.s32 $0xFFFFFFFF  }
0xab: {  	s26 =	simm.s32 $execute0_lowered;
	[smem:$0x3FD2] =	sst s25  }
0xac: {  	s6 =	sshll.u32 s26, $0x1;
	_ =	strace $0x80000046;
	[dreg:$0x1] =	wrdreg $0xFFFFFFFF  }
0xad: {  	s28 =	simm.s32 $_size_execute0_lowered;
	s4 =	sadd.s32 s4, s6;
	[dreg:$0x0] =	wrdreg $0x0  }
0xae: {  	s6 =	sshll.u32 s28, $0x1;
	[dreg:$0x2] =	wrdreg s4  }
0xaf: {  	[dreg:$0x3] =	wrdreg s6  }
0xb0: {  	[dreg:$0x4] =	wrdreg $0xC0  }
0xb1: {  	_ =	task [dreg:s8], $0x5FFFF  }
0xb2: {  	[dreg:$0x1] =	wrdreg $0xFFFFFFFF  }
0xb3: {  	[dreg:$0x0] =	wrdreg $0x60  }
0xb4: {  	[dreg:$0x2] =	wrdreg s15  }
0xb5: {  	[dreg:$0x3] =	wrdreg s16  }
0xb6: {  	[dreg:$0x4] =	wrdreg s24  }
0xb7: {  	[dreg:$0x5] =	wrdreg $0x9  }
0xb8: {  	_ =	task.clear_ibuf [dreg:s8], $0x6FFFF;
	_ =	strace $0x90000046  }
0xb9: {  	s29 =	simm.s32 $0x9;
	_ =	strace $0x80000048  }
0xba: {  	_ =	swait.ge [sflag:s29], $0x1  }
0xbb: {  	[sflag:s29] =	ssyncadd.s32 $0xFFFFFFFF  }
0xbc: {  	_ =	strace $0x90000048  }
0xbd: {  	_ =	sfence  }
0xbe: {  	s30 =	sld [smem:$0x0];
	_ =	sdelay $0x2  }
0xbf: {  	s31 =	sshll.u32 s1, $0xD;
	s1 =	sshrl.u32 s1, $0x2  }
0xc0: {  	s3 =	sand.u32 $0x4000, s31;
	s1 =	sadd.s32 s1, s30  }
0xc1: {  	s0 =	sor.u32 s3, s0;
	s1 =	sshll.u32 s1, $0x11  }
0xc2: {  	s0 =	sor.u32 s1, s0  }
0xc3: {  	s0 =	sadd.s32 $0x8F2B, s0  }
0xc4: {  	[sflag:s0] =	ssyncadd.remote.s32 $0x1  }
0xc5: {  	_ =	sfence.sel $0xFFFF  }
0xc6: {  	[dreg:$0x0] =	wrdreg $0xFFFFFFFF;
	(pc) =	sbr.abs _section_cstart, $3  }
0xc7: {  	[dreg:$0x1] =	wrdreg $0xFFFFFFFF  }
0xc8: {  	_ =	task.clear_ibuf [dreg:s8], $0x2FFFF;
	_ =	strace $0x9FFFFFFF  }
0xc9: {  	(tm) =	ssettm $0x7FFFFFFF  }
tec
execute0_lowered:
.L_overlay_start_1:
0x0: {  	(tag) =	ssettag $0x1  }
0x1: {  	s0 =	srdreg.scid;
	s1 =	rddreg [dreg:$0x0]  }
0x2: {  	s8 =	stileid.u32;
	s6 =	rddreg [dreg:$0x1]  }
0x3: {  	s4 =	rddreg [dreg:$0x2];
	s3 =	simm.s32 $0x0;
	s5 =	simm.s32 $0x1  }
0x4: {  	s29 =	simm.s32 $0x400;
	s0 =	sand.u32 $0x1, s0;
	s2 =	sshll.u32 s8, $0x1  }
0x5: {  	s30 =	simm.s32 $0x4000;
	s31 =	simm.s32 $0x3;
	s2 =	sor.u32 s0, s2  }
0x6: {  	[smem:$0x7FF] =	sst s3;
	p1 =	seq.s32 s0, $0x1;
	p0 =	seq.s32 s2, $0x0  }
0x7: {  	s10 =	sadd.s32 $0x800, s4;
	_ =	strace $0x80000047;
	p0 =	por !p0, !p1  }
0x8: {  	s7 =	ssub.s32 $0x2, s0;
	s15 =	sshll.u32 s0, $0xA;
	p0 =	por !p0, !p0  }
0x9: {  	s21 =	sshrl.u32 s7, $0x1;
	s2 =	sshll.u32 s2, $0x4;
	s5 =	simm.s32 @!p0 $0x0  }
0xa: {  	s13 =	ssub.s32 s7, s21;
	s2 =	sadd.s32 s6, s2;
	s8 =	ssub.s32 s8, s5  }
0xb: {  	[dreg:$0xb] =	wrdreg s2;
	s2 =	simm.s32 $0x1C400;
	s4 =	sshll.u32 s8, $0xA  }
0xc: {  	s8 =	sshll.u32 s8, $0xB;
	s22 =	sshrl.u32 s4, $0x3;
	s5 =	sadd.s32 $0x34000, s4  }
0xd: {  	s7 =	sadd.s32 $0x68000, s4;
	s8 =	sor.u32 s15, s8;
	s17 =	sadd.s32 $0x104000, s4  }
0xe: {  	s18 =	sadd.s32 $0x138000, s4;
	s11 =	sadd.s32 s1, s22;
	s9 =	sshrl.u32 s5, $0x3  }
0xf: {  	s23 =	sshrl.u32 s7, $0x3;
	s25 =	sand.u32 $0x1FFFFC00, s8;
	s8 =	sadd.s32 s10, s8  }
0x10: {  	[dreg:$0x4] =	wrdreg s11;
	s11 =	sadd.s32 $0x6000, s11;
	s9 =	sadd.s32 s1, s9  }
0x11: {  	s15 =	sadd.s32 s25, s10;
	[dreg:$0x9] =	wrdreg s8;
	s25 =	sshll.u32 s0, $0x6  }
0x12: {  	s0 =	simm.s32 $0x19000;
	s8 =	simm.s32 $0x0;
	[dreg:$0x5] =	wrdreg s11  }
0x13: {  	s12 =	sadd.s32 $0x6000, s9;
	s11 =	sadd.s32 s1, s23;
	s26 =	sadd.s32 $0x100, s15  }
0x14: {  	s22 =	sadd.s32 $0x200, s15;
	[dreg:$0x6] =	wrdreg s12;
	s12 =	sadd.s32 $0x9C000, s4  }
0x15: {  	v0 =	vlaneseq.u32;
	s23 =	sadd.s32 $0x300, s15;
	s28 =	sor.u32 $0x120, s25;
	s14 =	sshrl.u32 s12, $0x3  }
0x16: {  	v1 =	vmul.u32 $0x80, v0;
	s16 =	sadd.s32 $0x6000, s11;
	[dreg:$0xa] =	wrdreg s26;
	s14 =	sadd.s32 s1, s14  }
0x17: {  	v2 =	vimm.f32 $4.999999700e-01;
	v3 =	vimm.f32 $0.0e+00;
	s26 =	sadd.s32 $0x16C000, s4;
	[dreg:$0x7] =	wrdreg s16;
	s24 =	sadd.s32 $0x6000, s14  }
0x18: {  	v4 =	vimm.f32 $1.999999880e+00;
	v6 =	vor.u32 $0x10, v0;
	v5 =	vor.u32 $0x800, v1;
	s16 =	sadd.s32 $0xD0000, s4;
	[dreg:$0x8] =	wrdreg s24;
	s24 =	smax.u32 s13, $0x1  }
.LBB2_1:
0x19: {  	s10 =	simm.s32 $0x200;
	s6 =	simm.s32 $0x0  }
.LBB2_2:
0x1a: {  	p0 =	sne.s32 s10, $0xC600;
	[tilespmem:s6+$0x19030] =	vst v2;
	s13 =	smov.u32 s10;
	s10 =	sadd.s32 $0x200, s10  }
.Ltmp0:
0x1b: {  	[tilespmem:s6+$0x19020] =	vst v2;
	(pc) =	sbr.rel @p0 .LBB2_2-.Ltmp0, $3  }
0x1c: {  	[tilespmem:s6+$0x19000] =	vst v2  }
0x1d: {  	[tilespmem:s6+$0x19010] =	vst v2;
	_ =	sdelay $0x1  }
0x1e: {  	s6 =	sshra.s32 s13, $0x2  }
0x1f: {  	[tilespmem:s6+$0x19030] =	vst v2  }
0x20: {  	[tilespmem:s6+$0x19020] =	vst v2  }
0x21: {  	[tilespmem:s6+$0x19000] =	vst v2  }
0x22: {  	[tilespmem:s6+$0x19010] =	vst v2  }
0x23: {  	[tilespmem:$0x1E400] =	vst v3  }
0x24: {  	[tilespmem:$0x1E410] =	vst v3  }
0x25: {  	[tilespmem:$0x1E420] =	vst v3  }
0x26: {  	s10 =	simm.s32 $0x0;
	s20 =	rddreg [dreg:$0x4];
	[tilespmem:$0x1E430] =	vst v3  }
0x27: {  	[tilespmem:s10], [sflag:$0x1] =	stream.strided.gather [hbm4b:s20+s29], $0x3000, s30, s29, $0x38;
	[tilespmem:$0x1E480] =	vst v63  }
0x28: {  	s21 =	rddreg [dreg:$0x5];
	s13 =	simm.s32 $0x3000  }
0x29: {  	[tilespmem:s13], [sflag:$0x1] =	stream.linear.gather [hbm4b:s21+s10], $0x200, $0x38;
	[tilespmem:$0x1E480] =	vst v63  }
0x2a: {  	s15 =	simm.s32 $0x3200  }
0x2b: {  	[tilespmem:s15], [sflag:$0x1] =	stream.strided.gather [hbm4b:s9+s29], $0x3000, s30, s29, $0x38;
	[tilespmem:$0x1E480] =	vst v63  }
0x2c: {  	s19 =	rddreg [dreg:$0x6];
	s20 =	simm.s32 $0x6200  }
0x2d: {  	[tilespmem:s20], [sflag:$0x1] =	stream.linear.gather [hbm4b:s19+s10], $0x200, $0x38;
	[tilespmem:$0x1E480] =	vst v63  }
0x2e: {  	s21 =	simm.s32 $0x6400  }
0x2f: {  	[tilespmem:s21], [sflag:$0x1] =	stream.strided.gather [hbm4b:s11+s29], $0x3000, s30, s29, $0x38;
	[tilespmem:$0x1E480] =	vst v63  }
0x30: {  	s13 =	rddreg [dreg:$0x7];
	s15 =	simm.s32 $0x9400  }
0x31: {  	[tilespmem:s15], [sflag:$0x1] =	stream.linear.gather [hbm4b:s13+s10], $0x200, $0x38;
	[tilespmem:$0x1E480] =	vst v63  }
0x32: {  	s19 =	simm.s32 $0x9600  }
0x33: {  	[tilespmem:s19], [sflag:$0x1] =	stream.strided.gather [hbm4b:s14+s29], $0x3000, s30, s29, $0x38;
	[tilespmem:$0x1E480] =	vst v63  }
0x34: {  	p0 =	por $0x0, $0x0;
	s20 =	rddreg [dreg:$0x8];
	s21 =	simm.s32 $0xC600  }
0x35: {  	[tilespmem:s21], [sflag:$0x1] =	stream.linear.gather [hbm4b:s20+s10], $0x200, $0x38;
	[tilespmem:$0x1E480] =	vst v63  }
.LBB2_4:
0x36: {  	s6 =	sand.u32 $0x1, s10  }
0x37: {  	p1 =	seq.s32 s6, $0x1  }
0x38: {  	s6 =	smul.u32 @p1 $0xD0000, s10;
	_ =	sdelay $0x1  }
0x39: {  	s13 =	sadd.s32 @p1 s6, s16  }
0x3a: {  	s15 =	simm.s32 @p1 $0x400;
	s13 =	sshrl.u32 @p1 s13, $0x3  }
0x3b: {  	s19 =	simm.s32 @p1 $0x4000;
	s20 =	simm.s32 @p1 $0x0;
	s13 =	sadd.s32 @p1 s1, s13  }
0x3c: {  	[tilespmem:s20], [sflag:$0x1] =	stream.strided.gather @p1 [hbm4b:s13+s15], $0x3000, s19, s15, $0x38;
	[tilespmem:$0x1E480] =	vst v63  }
0x3d: {  	s21 =	simm.s32 @p1 $0x3000;
	s13 =	sadd.s32 @p1 $0x6000, s13  }
0x3e: {  	[tilespmem:s21], [sflag:$0x1] =	stream.linear.gather @p1 [hbm4b:s13+s20], $0x200, $0x38;
	[tilespmem:$0x1E480] =	vst v63  }
0x3f: {  	s13 =	sadd.s32 @p1 s6, s17  }
0x40: {  	s13 =	sshrl.u32 @p1 s13, $0x3  }
0x41: {  	s21 =	simm.s32 @p1 $0x3200;
	s13 =	sadd.s32 @p1 s1, s13  }
0x42: {  	[tilespmem:s21], [sflag:$0x1] =	stream.strided.gather @p1 [hbm4b:s13+s15], $0x3000, s19, s15, $0x38;
	[tilespmem:$0x1E480] =	vst v63  }
0x43: {  	s13 =	sadd.s32 @p1 $0x6000, s13;
	s21 =	simm.s32 @p1 $0x6200  }
0x44: {  	[tilespmem:s21], [sflag:$0x1] =	stream.linear.gather @p1 [hbm4b:s13+s20], $0x200, $0x38;
	[tilespmem:$0x1E480] =	vst v63  }
0x45: {  	s13 =	sadd.s32 @p1 s6, s18  }
0x46: {  	s13 =	sshrl.u32 @p1 s13, $0x3  }
0x47: {  	s21 =	simm.s32 @p1 $0x6400;
	s6 =	sadd.s32 @p1 s6, s26;
	s13 =	sadd.s32 @p1 s1, s13  }
0x48: {  	[tilespmem:s21], [sflag:$0x1] =	stream.strided.gather @p1 [hbm4b:s13+s15], $0x3000, s19, s15, $0x38;
	[tilespmem:$0x1E480] =	vst v63  }
0x49: {  	s6 =	sshrl.u32 @p1 s6, $0x3;
	s13 =	sadd.s32 @p1 $0x6000, s13;
	s21 =	simm.s32 @p1 $0x9400  }
0x4a: {  	[tilespmem:s21], [sflag:$0x1] =	stream.linear.gather @p1 [hbm4b:s13+s20], $0x200, $0x38;
	[tilespmem:$0x1E480] =	vst v63  }
0x4b: {  	s6 =	sadd.s32 @p1 s1, s6;
	s13 =	simm.s32 @p1 $0x9600  }
0x4c: {  	[tilespmem:s13], [sflag:$0x1] =	stream.strided.gather @p1 [hbm4b:s6+s15], $0x3000, s19, s15, $0x38;
	[tilespmem:$0x1E480] =	vst v63  }
0x4d: {  	s13 =	sor.u32 @!p1 $0x1, s10  }
0x4e: {  	p2 =	sgt.u32 @!p1 s13, $0x18  }
0x4f: {  	p3 =	por p2, p1  }
0x50: {  	s6 =	sadd.s32 @p1 $0x6000, s6;
	s15 =	simm.s32 @p1 $0xC600;
	s13 =	smul.u32 @!p3 $0xD0000, s13  }
0x51: {  	[tilespmem:s15], [sflag:$0x1] =	stream.linear.gather @p1 [hbm4b:s6+s20], $0x200, $0x38;
	[tilespmem:$0x1E480] =	vst v63  }
0x52: {  	s6 =	sadd.s32 @!p3 s4, s13  }
0x53: {  	s15 =	simm.s32 @!p3 $0x400;
	s6 =	sshrl.u32 @!p3 s6, $0x3  }
0x54: {  	s19 =	simm.s32 @!p3 $0x4000;
	s20 =	simm.s32 @!p3 $0xC800;
	s6 =	sadd.s32 @!p3 s1, s6  }
0x55: {  	[tilespmem:s20], [sflag:$0x2] =	stream.strided.gather @!p3 [hbm4b:s6+s15], $0x3000, s19, s15, $0x38;
	[tilespmem:$0x1E480] =	vst v63  }
0x56: {  	s21 =	simm.s32 @!p3 $0xF800;
	s6 =	sadd.s32 @!p3 $0x6000, s6;
	s20 =	simm.s32 @!p3 $0x0  }
0x57: {  	[tilespmem:s21], [sflag:$0x2] =	stream.linear.gather @!p3 [hbm4b:s6+s20], $0x200, $0x38;
	[tilespmem:$0x1E480] =	vst v63  }
0x58: {  	s6 =	sadd.s32 @!p3 s13, s5  }
0x59: {  	s6 =	sshrl.u32 @!p3 s6, $0x3  }
0x5a: {  	s21 =	simm.s32 @!p3 $0xFA00;
	s6 =	sadd.s32 @!p3 s1, s6  }
0x5b: {  	[tilespmem:s21], [sflag:$0x2] =	stream.strided.gather @!p3 [hbm4b:s6+s15], $0x3000, s19, s15, $0x38;
	[tilespmem:$0x1E480] =	vst v63  }
0x5c: {  	s6 =	sadd.s32 @!p3 $0x6000, s6;
	s21 =	simm.s32 @!p3 $0x12A00  }
0x5d: {  	[tilespmem:s21], [sflag:$0x2] =	stream.linear.gather @!p3 [hbm4b:s6+s20], $0x200, $0x38;
	[tilespmem:$0x1E480] =	vst v63  }
0x5e: {  	s6 =	sadd.s32 @!p3 s13, s7  }
0x5f: {  	s6 =	sshrl.u32 @!p3 s6, $0x3  }
0x60: {  	s21 =	simm.s32 @!p3 $0x12C00;
	s6 =	sadd.s32 @!p3 s1, s6  }
0x61: {  	[tilespmem:s21], [sflag:$0x2] =	stream.strided.gather @!p3 [hbm4b:s6+s15], $0x3000, s19, s15, $0x38;
	[tilespmem:$0x1E480] =	vst v63  }
0x62: {  	s6 =	sadd.s32 @!p3 $0x6000, s6;
	s21 =	simm.s32 @!p3 $0x15C00  }
0x63: {  	[tilespmem:s21], [sflag:$0x2] =	stream.linear.gather @!p3 [hbm4b:s6+s20], $0x200, $0x38;
	[tilespmem:$0x1E480] =	vst v63  }
0x64: {  	s6 =	sadd.s32 @!p3 s13, s12  }
0x65: {  	s6 =	sshrl.u32 @!p3 s6, $0x3  }
0x66: {  	s13 =	simm.s32 @!p3 $0x15E00;
	s6 =	sadd.s32 @!p3 s1, s6  }
0x67: {  	[tilespmem:s13], [sflag:$0x2] =	stream.strided.gather @!p3 [hbm4b:s6+s15], $0x3000, s19, s15, $0x38;
	[tilespmem:$0x1E480] =	vst v63  }
0x68: {  	s6 =	sadd.s32 @!p3 $0x6000, s6;
	s13 =	simm.s32 @!p3 $0x18E00  }
0x69: {  	[tilespmem:s13], [sflag:$0x2] =	stream.linear.gather @!p3 [hbm4b:s6+s20], $0x200, $0x38;
	[tilespmem:$0x1E480] =	vst v63  }
0x6a: {  	p2 =	por !p2, p1;
	s6 =	simm.s32 @!p1 $0x1  }
0x6b: {  	s6 =	simm.s32 @p2 $0x1  }
0x6c: {  	s6 =	simm.s32 @p1 $0x2  }
0x6d: {  	_ =	swait.ge [sflag:s6], $0x3200  }
0x6e: {  	[sflag:s6] =	ssyncset.done $0x0  }
0x6f: {  	[sflag:s6] =	ssyncadd.s32 $0xFFFFCE00  }
0x70: {  	_ =	swait.ge [sflag:s6], $0x3200  }
0x71: {  	[sflag:s6] =	ssyncset.done $0x0  }
0x72: {  	[sflag:s6] =	ssyncadd.s32 $0xFFFFCE00  }
0x73: {  	_ =	swait.ge [sflag:s6], $0x3200  }
0x74: {  	[sflag:s6] =	ssyncset.done $0x0  }
0x75: {  	s13 =	simm.s32 $0x1;
	[sflag:s6] =	ssyncadd.s32 $0xFFFFCE00  }
0x76: {  	s13 =	simm.s32 @!p0 $0x0;
	_ =	swait.ge [sflag:s6], $0x3200  }
0x77: {  	s13 =	smul.u32 $0x32000, s13;
	[sflag:s6] =	ssyncset.done $0x0  }
0x78: {  	[sflag:s6] =	ssyncadd.s32 $0xFFFFCE00  }
0x79: {  	s15 =	sshll.u32 s10, $0x2;
	s21 =	sshrl.u32 s13, $0x2;
	v7 =	vld [tilespmem:$0x1E400]  }
0x7a: {  	s20 =	simm.s32 $0x0;
	s13 =	sor.u32 s21, s28;
	s19 =	sor.u32 s21, s25;
	v8 =	vld [tilespmem:$0x1E410]  }
.LBB2_5:
0x7b: {  	s21 =	simm.s32 $0x0  }
0x7c: {  	v12 =	vld [tilespmem:s21+$0x19000]  }
0x7d: {  	v14 =	vld [tilespmem:s21+$0x19010]  }
0x7e: {  	v19 =	vld [tilespmem:s21+$0x19080]  }
0x7f: {  	v21 =	vld [tilespmem:s21+$0x19090]  }
0x80: {  	v23 =	vld [tilespmem:s21+$0x19100]  }
0x81: {  	v25 =	vld [tilespmem:s21+$0x19110]  }
0x82: {  	v27 =	vld [tilespmem:s21+$0x19180]  }
0x83: {  	s6 =	simm.s32 $0x200;
	v29 =	vld [tilespmem:s21+$0x19190]  }
0x84: {  	v37 =	vld [tilespmem:s6+$0x19000]  }
0x85: {  	v9 =	vmov s19;
	v41 =	vld [tilespmem:s6+$0x19010]  }
0x86: {  	v31 =	vld [tilespmem:s6+$0x19080]  }
0x87: {  	v35 =	vld [tilespmem:s6+$0x19090]  }
0x88: {  	v38 =	vld [tilespmem:s6+$0x19100]  }
0x89: {  	v36 =	vld [tilespmem:s6+$0x19110]  }
0x8a: {  	v11 =	vld.idx.msk [tilespmem:v9+s21+$0x0 ss:$0x1], $0xffff  }
0x8b: {  	v17 =	vld.idx.msk [tilespmem:v9+s21+$0x10 ss:$0x1], $0xffff  }
0x8c: {  	v18 =	vld.idx.msk [tilespmem:v9+s21+$0x80 ss:$0x1], $0xffff  }
0x8d: {  	v20 =	vld.idx.msk [tilespmem:v9+s21+$0x90 ss:$0x1], $0xffff  }
0x8e: {  	v34 =	vimm.f32 $0.0e+00;
	v22 =	vld.idx.msk [tilespmem:v9+s21+$0x100 ss:$0x1], $0xffff  }
0x8f: {  	v39 =	vld [tilespmem:s6+$0x19180];
	v12 =	vmax.f32 v12, v34;
	v15 =	vmax.f32 v14, v34  }
0x90: {  	v24 =	vld.idx.msk [tilespmem:v9+s21+$0x110 ss:$0x1], $0xffff;
	v14 =	vimm.s32 $0x0;
	vm0 =	vgt.f32 v11, v12;
	vm1 =	vgt.f32 v17, v15  }
0x91: {  	v26 =	vld.idx.msk [tilespmem:v9+s21+$0x180 ss:$0x1], $0xffff;
	v15 =	vsel vm0, v14, v14;
	v16 =	vsel vm0, v11, v34;
	v17 =	vsel vm1, v17, v34  }
0x92: {  	v28 =	vld.idx.msk [tilespmem:v9+s21+$0x190 ss:$0x1], $0xffff;
	v11 =	vmax.f32 v19, v34;
	v19 =	vmax.f32 v21, v34;
	v21 =	vmax.f32 v23, v34  }
0x93: {  	v10 =	vld.idx.msk [tilespmem:v9+s6+$0x0 ss:$0x1], $0xffff;
	vm15 =	vgt.f32 v18, v11;
	vm2 =	vgt.f32 v20, v19;
	vm3 =	vgt.f32 v22, v21  }
0x94: {  	v13 =	vld.idx.msk [tilespmem:v9+s6+$0x10 ss:$0x1], $0xffff;
	v11 =	vmax.f32 v25, v34;
	v21 =	vmax.f32 v27, v34;
	v40 =	vmax.f32 v37, v16  }
0x95: {  	v30 =	vld.idx.msk [tilespmem:v9+s6+$0x90 ss:$0x1], $0xffff;
	v41 =	vmax.f32 v41, v17;
	v18 =	vsel vm15, v18, v34;
	v19 =	vsel vm2, v20, v34  }
0x96: {  	v33 =	vld.idx.msk [tilespmem:v9+s6+$0x100 ss:$0x1], $0xffff;
	v20 =	vsel vm3, v22, v34;
	v22 =	vmax.f32 v29, v34;
	vm4 =	vgt.f32 v24, v11  }
0x97: {  	v32 =	vld.idx.msk [tilespmem:v9+s6+$0x110 ss:$0x1], $0xffff;
	vm5 =	vgt.f32 v26, v21;
	v27 =	vsel vm15, v14, v14;
	v29 =	vsel vm3, v14, v14  }
0x98: {  	v12 =	vld.idx.msk [tilespmem:v9+s6+$0x80 ss:$0x1], $0xffff;
	vm6 =	vgt.f32 v28, v22;
	v21 =	vsel vm4, v24, v34;
	v22 =	vsel vm5, v26, v34  }
0x99: {  	v37 =	vld.idx.msk [tilespmem:v9+s6+$0x190 ss:$0x1], $0xffff;
	v26 =	vsel vm1, v14, v14;
	v24 =	vsel vm4, v14, v14;
	v25 =	vsel vm5, v14, v14  }
0x9a: {  	s21 =	simm.s32 $0x1000;
	v23 =	vsel vm6, v28, v34;
	v28 =	vsel vm2, v14, v14;
	v34 =	vld.idx.msk [tilespmem:v9+s6+$0x180 ss:$0x1], $0xffff;
	v11 =	vsel vm6, v14, v14  }
.LBB2_6:
0x9b: {  	p1 =	sne.s32 s21, $0xC000;
	vm1 =	vgt.f32 v10, v40;
	vm0 =	vgt.f32 v13, v41;
	v40 =	vld [tilespmem:s6+$0x19190];
	s6 =	sshra.s32 s21, $0x2;
	v14 =	vadd.s32 $0x1, v14  }
0x9c: {  	v15 =	vsel vm1, v14, v15;
	v16 =	vsel vm1, v10, v16;
	v10 =	vld.idx.msk [tilespmem:v9+s6+$0x0 ss:$0x1], $0xffff;
	v17 =	vsel vm0, v13, v17  }
0x9d: {  	v31 =	vmax.f32 v31, v18;
	v35 =	vmax.f32 v35, v19;
	v38 =	vmax.f32 v38, v20;
	v41 =	vld [tilespmem:s6+$0x19000]  }
0x9e: {  	vm1 =	vgt.f32 v12, v31;
	vm2 =	vgt.f32 v30, v35;
	vm3 =	vgt.f32 v33, v38;
	v13 =	vld.idx.msk [tilespmem:v9+s6+$0x10 ss:$0x1], $0xffff  }
0x9f: {  	v18 =	vsel vm1, v12, v18;
	v19 =	vsel vm2, v30, v19;
	v20 =	vsel vm3, v33, v20;
	v42 =	vld [tilespmem:s6+$0x19010]  }
0xa0: {  	v30 =	vmax.f32 v36, v21;
	v33 =	vmax.f32 v39, v22;
	v12 =	vld.idx.msk [tilespmem:v9+s6+$0x80 ss:$0x1], $0xffff;
	v35 =	vmax.f32 v40, v23  }
0xa1: {  	vm4 =	vgt.f32 v32, v30;
	vm5 =	vgt.f32 v34, v33;
	v31 =	vld [tilespmem:s6+$0x19080];
	vm6 =	vgt.f32 v37, v35  }
0xa2: {  	v21 =	vsel vm4, v32, v21;
	v22 =	vsel vm5, v34, v22;
	v30 =	vld.idx.msk [tilespmem:v9+s6+$0x90 ss:$0x1], $0xffff;
	v23 =	vsel vm6, v37, v23  }
0xa3: {  	v26 =	vsel vm0, v14, v26;
	v27 =	vsel vm1, v14, v27;
	v28 =	vsel vm2, v14, v28;
	v35 =	vld [tilespmem:s6+$0x19090]  }
0xa4: {  	v29 =	vsel vm3, v14, v29;
	v24 =	vsel vm4, v14, v24;
	v25 =	vsel vm5, v14, v25;
	v33 =	vld.idx.msk [tilespmem:v9+s6+$0x100 ss:$0x1], $0xffff  }
0xa5: {  	v11 =	vsel vm6, v14, v11;
	v38 =	vld [tilespmem:s6+$0x19100]  }
.Ltmp1:
0xa6: {  	v32 =	vld.idx.msk [tilespmem:v9+s6+$0x110 ss:$0x1], $0xffff;
	(pc) =	sbr.rel @p1 .LBB2_6-.Ltmp1, $4  }
0xa7: {  	v36 =	vld [tilespmem:s6+$0x19110]  }
0xa8: {  	v34 =	vld.idx.msk [tilespmem:v9+s6+$0x180 ss:$0x1], $0xffff  }
0xa9: {  	v39 =	vld [tilespmem:s6+$0x19180]  }
0xaa: {  	s21 =	sadd.s32 $0x800, s21;
	v40 =	vmax.f32 v41, v16;
	v41 =	vmax.f32 v42, v17;
	v37 =	vld.idx.msk [tilespmem:v9+s6+$0x190 ss:$0x1], $0xffff  }
0xab: {  	vm0 =	vgt.f32 v10, v40;
	vm1 =	vgt.f32 v13, v41;
	v14 =	vadd.s32 $0x1, v14  }
0xac: {  	v62 =	vmax.f32 v31, v18;
	v63 =	vmax.f32 v35, v19;
	v35 =	vmax.f32 v38, v20  }
0xad: {  	v15 =	vsel vm0, v14, v15;
	v10 =	vsel vm0, v10, v16;
	v13 =	vsel vm1, v13, v17  }
0xae: {  	s21 =	sadd.s32 s15, s20;
	vm15 =	vgt.f32 v12, v62;
	vm2 =	vgt.f32 v30, v63;
	vm3 =	vgt.f32 v33, v35  }
0xaf: {  	v41 =	vmax.f32 v36, v21;
	v45 =	vsel vm1, v14, v26;
	v55 =	vmov s21  }
0xb0: {  	v12 =	vsel vm15, v12, v18;
	v38 =	vsel vm2, v30, v19;
	v40 =	vsel vm3, v33, v20  }
0xb1: {  	v9 =	vld [tilespmem:s6+$0x19190];
	vm4 =	vgt.f32 v32, v41;
	v46 =	vsel vm15, v14, v27;
	v47 =	vsel vm2, v14, v28  }
0xb2: {  	v48 =	vsel vm3, v14, v29;
	v59 =	vand.u32 $0x7F, v55;
	v61 =	vshll.u32 v45, $0x2  }
0xb3: {  	v42 =	vmax.f32 v39, v22;
	v49 =	vmax.f32 v10, v12;
	v24 =	vsel vm4, v14, v24  }
0xb4: {  	v51 =	vshll.u32 v46, $0x2;
	v53 =	vshll.u32 v48, $0x2;
	v57 =	vmax.f32 v13, v38  }
0xb5: {  	v62 =	vshll.u32 v47, $0x2;
	vm5 =	vgt.f32 v34, v42;
	v52 =	vor.u32 $0x1, v51  }
0xb6: {  	v9 =	vmax.f32 v9, v23;
	v43 =	vsel vm5, v34, v22;
	v25 =	vsel vm5, v14, v25  }
0xb7: {  	vm6 =	vgt.f32 v37, v9;
	v9 =	vsel vm4, v32, v21;
	v50 =	vmax.f32 v40, v43  }
0xb8: {  	v54 =	vshll.u32 v25, $0x2;
	v44 =	vsel vm6, v37, v23;
	v26 =	vmax.f32 v49, v50  }
0xb9: {  	v17 =	vor.u32 $0x3, v54;
	v11 =	vsel vm6, v14, v11;
	vm5 =	veq.f32 v10, v26  }
0xba: {  	v10 =	vshll.u32 v15, $0x2;
	vm7 =	veq.f32 v12, v26;
	vm8 =	veq.f32 v40, v26  }
0xbb: {  	v15 =	vor.u32 $0x2, v53;
	vm9 =	veq.f32 v43, v26;
	v58 =	vmax.f32 v9, v44  }
0xbc: {  	v11 =	vshll.u32 v11, $0x2;
	v10 =	vnsel vm5, $0x100000, v10;
	v12 =	vnsel vm7, $0x100000, v52  }
0xbd: {  	v15 =	vnsel vm8, $0x100000, v15;
	v17 =	vnsel vm9, $0x100000, v17;
	v60 =	vmax.f32 v57, v58  }
0xbe: {  	v11 =	vor.u32 $0x3, v11;
	vm0 =	vlt.s32 v10, v12;
	vm1 =	vlt.s32 v15, v17  }
0xbf: {  	vm10 =	veq.f32 v13, v60;
	vm11 =	veq.f32 v38, v60;
	vm12 =	veq.f32 v9, v60  }
0xc0: {  	v9 =	vshll.u32 v24, $0x2;
	vm13 =	veq.f32 v44, v60;
	v10 =	vsel vm0, v10, v12  }
0xc1: {  	v56 =	vsel vm1, v15, v17;
	v13 =	vnsel vm10, $0x100000, v61;
	v15 =	vor.u32 $0x1, v62  }
0xc2: {  	v9 =	vor.u32 $0x2, v9;
	v11 =	vnsel vm13, $0x100000, v11;
	v12 =	vbroadcast v59, $0x0  }
0xc3: {  	vm0 =	vlt.s32 v10, v56;
	v15 =	vnsel vm11, $0x100000, v15;
	v9 =	vnsel vm12, $0x100000, v9  }
0xc4: {  	v10 =	vsel vm0, v10, v56;
	vm0 =	vlt.s32 v13, v15;
	vm1 =	vlt.s32 v9, v11  }
0xc5: {  	vm14 =	vgt.f32 v26, $0.0e+00;
	v13 =	vsel vm0, v13, v15;
	v9 =	vsel vm1, v9, v11  }
0xc6: {  	v11 =	vor.u32 v1, v12;
	v63 =	vshll.u32 v10, $0x7;
	vm0 =	vlt.s32 v13, v9  }
0xc7: {  	v15 =	vor.u32 v0, v63;
	v9 =	vsel vm0, v13, v9  }
0xc8: {  	s20 =	sadd.s32 $0x1, s20;
	vm15 =	vgt.f32 v60, $0.0e+00;
	v12 =	vor.u32 v5, v12;
	v13 =	vshll.u32 v9, $0x7  }
0xc9: {  	p1 =	sne.s32 s20, $0x4;
	v10 =	vadd.s32 $0x1, v10;
	v13 =	vor.u32 v6, v13  }
.Ltmp2:
0xca: {  	v10 =	vnsel vm14, $0x0, v10;
	(pc) =	sbr.rel @p1 .LBB2_5-.Ltmp2, $4  }
0xcb: {  	v9 =	vadd.s32 $0x1, v9;
	[tilespmem:v11+s2+$0x0] =	vst.idx.msk $0xffff, v10  }
0xcc: {  	v9 =	vnsel vm15, $0x0, v9;
	[tilespmem:v15+s0+$0x0] =	vst.idx.msk vm14, v4  }
0xcd: {  	[tilespmem:v12+s2+$0x0] =	vst.idx.msk $0xffff, v9  }
0xce: {  	s19 =	sadd.s32 $0x3200, s19;
	v7 =	vadd.f32 v26, v7;
	v8 =	vadd.f32 v60, v8;
	[tilespmem:v13+s0+$0x0] =	vst.idx.msk vm15, v4  }
0xcf: {  	_ = 	snop  }
0xd0: {  	[tilespmem:$0x1E400] =	vst v7;
	v7 =	vld [tilespmem:$0x1E420]  }
0xd1: {  	s19 =	simm.s32 $0x0;
	[tilespmem:$0x1E410] =	vst v8;
	v8 =	vld [tilespmem:$0x1E430]  }
.LBB2_9:
0xd2: {  	s20 =	simm.s32 $0x0  }
0xd3: {  	v11 =	vld [tilespmem:s20+$0x19020]  }
0xd4: {  	v13 =	vld [tilespmem:s20+$0x19030]  }
0xd5: {  	v22 =	vld [tilespmem:s20+$0x190A0]  }
0xd6: {  	v24 =	vld [tilespmem:s20+$0x190B0]  }
0xd7: {  	v26 =	vld [tilespmem:s20+$0x19120]  }
0xd8: {  	v28 =	vld [tilespmem:s20+$0x19130]  }
0xd9: {  	v32 =	vld [tilespmem:s20+$0x191A0]  }
0xda: {  	s6 =	simm.s32 $0x200;
	v36 =	vld [tilespmem:s20+$0x191B0]  }
0xdb: {  	v9 =	vmov s13;
	v37 =	vld [tilespmem:s6+$0x19020]  }
0xdc: {  	v41 =	vld [tilespmem:s6+$0x19030]  }
0xdd: {  	v31 =	vld [tilespmem:s6+$0x190A0]  }
0xde: {  	v35 =	vld [tilespmem:s6+$0x190B0]  }
0xdf: {  	v38 =	vld [tilespmem:s6+$0x19120]  }
0xe0: {  	v10 =	vld.idx.msk [tilespmem:v9+s20+$0xFFFFFF00 ss:$0x1], $0xffff  }
0xe1: {  	v12 =	vld.idx.msk [tilespmem:v9+s20+$0xFFFFFF10 ss:$0x1], $0xffff  }
0xe2: {  	v21 =	vld.idx.msk [tilespmem:v9+s20+$0xFFFFFF80 ss:$0x1], $0xffff  }
0xe3: {  	v23 =	vld.idx.msk [tilespmem:v9+s20+$0xFFFFFF90 ss:$0x1], $0xffff  }
0xe4: {  	v25 =	vld.idx.msk [tilespmem:v9+s20+$0x0 ss:$0x1], $0xffff  }
0xe5: {  	v39 =	vimm.f32 $0.0e+00;
	v27 =	vld.idx.msk [tilespmem:v9+s20+$0x10 ss:$0x1], $0xffff  }
0xe6: {  	v29 =	vld.idx.msk [tilespmem:v9+s20+$0x80 ss:$0x1], $0xffff;
	v11 =	vmax.f32 v11, v39;
	v13 =	vmax.f32 v13, v39  }
0xe7: {  	v17 =	vimm.s32 $0x0;
	v34 =	vld.idx.msk [tilespmem:v9+s20+$0x90 ss:$0x1], $0xffff;
	vm0 =	vgt.f32 v10, v11;
	vm1 =	vgt.f32 v12, v13  }
0xe8: {  	v14 =	vld.idx.msk [tilespmem:v9+s6+$0xFFFFFF00 ss:$0x1], $0xffff;
	v11 =	vmax.f32 v24, v39;
	v18 =	vsel vm0, v17, v17;
	v19 =	vsel vm0, v10, v39  }
0xe9: {  	v16 =	vld.idx.msk [tilespmem:v9+s6+$0xFFFFFF10 ss:$0x1], $0xffff;
	v20 =	vsel vm1, v12, v39;
	v10 =	vmax.f32 v22, v39;
	v12 =	vmax.f32 v26, v39  }
0xea: {  	v15 =	vld.idx.msk [tilespmem:v9+s6+$0xFFFFFF80 ss:$0x1], $0xffff;
	vm2 =	vgt.f32 v23, v11;
	v11 =	vmax.f32 v32, v39;
	vm15 =	vgt.f32 v21, v10  }
0xeb: {  	v30 =	vld.idx.msk [tilespmem:v9+s6+$0xFFFFFF90 ss:$0x1], $0xffff;
	vm3 =	vgt.f32 v25, v12;
	v22 =	vsel vm2, v23, v39;
	v10 =	vmax.f32 v28, v39  }
0xec: {  	v33 =	vld.idx.msk [tilespmem:v9+s6+$0x0 ss:$0x1], $0xffff;
	v12 =	vmax.f32 v36, v39;
	vm5 =	vgt.f32 v29, v11;
	v40 =	vmax.f32 v37, v19  }
0xed: {  	v32 =	vld.idx.msk [tilespmem:v9+s6+$0x10 ss:$0x1], $0xffff;
	v41 =	vmax.f32 v41, v20;
	v21 =	vsel vm15, v21, v39;
	v23 =	vsel vm3, v25, v39  }
0xee: {  	v36 =	vld [tilespmem:s6+$0x19130];
	vm4 =	vgt.f32 v27, v10;
	vm6 =	vgt.f32 v34, v12;
	v25 =	vsel vm5, v29, v39  }
0xef: {  	v37 =	vld.idx.msk [tilespmem:v9+s6+$0x90 ss:$0x1], $0xffff;
	v12 =	vsel vm1, v17, v17;
	v10 =	vsel vm2, v17, v17;
	v28 =	vsel vm3, v17, v17  }
0xf0: {  	v29 =	vsel vm5, v17, v17;
	v24 =	vsel vm4, v27, v39;
	v26 =	vsel vm6, v34, v39;
	v34 =	vld.idx.msk [tilespmem:v9+s6+$0x80 ss:$0x1], $0xffff  }
0xf1: {  	s20 =	simm.s32 $0x1000;
	v27 =	vsel vm15, v17, v17;
	v11 =	vsel vm4, v17, v17;
	v39 =	vld [tilespmem:s6+$0x191A0];
	v13 =	vsel vm6, v17, v17  }
.LBB2_10:
0xf2: {  	p1 =	sne.s32 s20, $0xC000;
	vm1 =	vgt.f32 v14, v40;
	vm0 =	vgt.f32 v16, v41;
	v40 =	vld [tilespmem:s6+$0x191B0];
	s6 =	sshra.s32 s20, $0x2;
	v17 =	vadd.s32 $0x1, v17  }
0xf3: {  	v18 =	vsel vm1, v17, v18;
	v19 =	vsel vm1, v14, v19;
	v14 =	vld.idx.msk [tilespmem:v9+s6+$0xFFFFFF00 ss:$0x1], $0xffff;
	v20 =	vsel vm0, v16, v20  }
0xf4: {  	v31 =	vmax.f32 v31, v21;
	v35 =	vmax.f32 v35, v22;
	v38 =	vmax.f32 v38, v23;
	v41 =	vld [tilespmem:s6+$0x19020]  }
0xf5: {  	vm1 =	vgt.f32 v15, v31;
	vm2 =	vgt.f32 v30, v35;
	vm3 =	vgt.f32 v33, v38;
	v16 =	vld.idx.msk [tilespmem:v9+s6+$0xFFFFFF10 ss:$0x1], $0xffff  }
0xf6: {  	v21 =	vsel vm1, v15, v21;
	v22 =	vsel vm2, v30, v22;
	v23 =	vsel vm3, v33, v23;
	v42 =	vld [tilespmem:s6+$0x19030]  }
0xf7: {  	v30 =	vmax.f32 v36, v24;
	v33 =	vmax.f32 v39, v25;
	v15 =	vld.idx.msk [tilespmem:v9+s6+$0xFFFFFF80 ss:$0x1], $0xffff;
	v35 =	vmax.f32 v40, v26  }
0xf8: {  	vm4 =	vgt.f32 v32, v30;
	vm5 =	vgt.f32 v34, v33;
	v31 =	vld [tilespmem:s6+$0x190A0];
	vm6 =	vgt.f32 v37, v35  }
0xf9: {  	v24 =	vsel vm4, v32, v24;
	v25 =	vsel vm5, v34, v25;
	v30 =	vld.idx.msk [tilespmem:v9+s6+$0xFFFFFF90 ss:$0x1], $0xffff;
	v26 =	vsel vm6, v37, v26  }
0xfa: {  	v12 =	vsel vm0, v17, v12;
	v27 =	vsel vm1, v17, v27;
	v10 =	vsel vm2, v17, v10;
	v35 =	vld [tilespmem:s6+$0x190B0]  }
0xfb: {  	v28 =	vsel vm3, v17, v28;
	v11 =	vsel vm4, v17, v11;
	v29 =	vsel vm5, v17, v29;
	v33 =	vld.idx.msk [tilespmem:v9+s6+$0x0 ss:$0x1], $0xffff  }
0xfc: {  	v13 =	vsel vm6, v17, v13;
	v38 =	vld [tilespmem:s6+$0x19120]  }
.Ltmp3:
0xfd: {  	v32 =	vld.idx.msk [tilespmem:v9+s6+$0x10 ss:$0x1], $0xffff;
	(pc) =	sbr.rel @p1 .LBB2_10-.Ltmp3, $4  }
0xfe: {  	v36 =	vld [tilespmem:s6+$0x19130]  }
0xff: {  	v34 =	vld.idx.msk [tilespmem:v9+s6+$0x80 ss:$0x1], $0xffff  }
0x100: {  	v39 =	vld [tilespmem:s6+$0x191A0]  }
0x101: {  	s20 =	sadd.s32 $0x800, s20;
	v40 =	vmax.f32 v41, v19;
	v41 =	vmax.f32 v42, v20;
	v37 =	vld.idx.msk [tilespmem:v9+s6+$0x90 ss:$0x1], $0xffff  }
0x102: {  	vm1 =	vgt.f32 v14, v40;
	vm0 =	vgt.f32 v16, v41;
	v17 =	vadd.s32 $0x1, v17  }
0x103: {  	v61 =	vmax.f32 v31, v21;
	v62 =	vmax.f32 v35, v22;
	v63 =	vmax.f32 v38, v23  }
0x104: {  	v58 =	vor.u32 $0x1000, v1;
	v60 =	vor.u32 $0x20, v0;
	v18 =	vsel vm1, v17, v18  }
0x105: {  	v14 =	vsel vm1, v14, v19;
	v16 =	vsel vm0, v16, v20;
	vm3 =	vgt.f32 v15, v61  }
0x106: {  	s21 =	sadd.s32 s15, s19;
	vm11 =	vgt.f32 v30, v62;
	vm4 =	vgt.f32 v33, v63;
	v40 =	vmax.f32 v36, v24  }
0x107: {  	v12 =	vsel vm0, v17, v12;
	v54 =	vmov s21;
	v63 =	vor.u32 $0x30, v0  }
0x108: {  	v15 =	vsel vm3, v15, v21;
	v35 =	vsel vm11, v30, v22;
	v38 =	vsel vm4, v33, v23  }
0x109: {  	vm2 =	vgt.f32 v32, v40;
	v44 =	vsel vm3, v17, v27;
	v46 =	vsel vm4, v17, v28  }
0x10a: {  	v9 =	vld [tilespmem:s6+$0x191B0];
	v48 =	vshll.u32 v18, $0x2;
	v10 =	vsel vm11, v17, v10;
	v55 =	vand.u32 $0x7F, v54  }
0x10b: {  	v12 =	vshll.u32 v12, $0x2;
	v41 =	vmax.f32 v39, v25;
	v45 =	vmax.f32 v14, v15  }
0x10c: {  	v49 =	vshll.u32 v44, $0x2;
	v51 =	vshll.u32 v46, $0x2;
	v11 =	vsel vm2, v17, v11  }
0x10d: {  	v56 =	vmax.f32 v16, v35;
	v10 =	vshll.u32 v10, $0x2;
	vm5 =	vgt.f32 v34, v41  }
0x10e: {  	v50 =	vor.u32 $0x1, v49;
	v18 =	vor.u32 $0x2, v51;
	v10 =	vor.u32 $0x1, v10  }
0x10f: {  	v9 =	vmax.f32 v9, v26;
	v42 =	vsel vm5, v34, v25;
	v47 =	vsel vm5, v17, v29  }
0x110: {  	vm6 =	vgt.f32 v37, v9;
	v9 =	vsel vm2, v32, v24;
	v25 =	vmax.f32 v38, v42  }
0x111: {  	v52 =	vshll.u32 v47, $0x2;
	v43 =	vsel vm6, v37, v26;
	v24 =	vmax.f32 v45, v25  }
0x112: {  	v20 =	vor.u32 $0x3, v52;
	v13 =	vsel vm6, v17, v13;
	vm12 =	veq.f32 v14, v24  }
0x113: {  	vm13 =	veq.f32 v15, v24;
	vm14 =	veq.f32 v38, v24;
	vm15 =	veq.f32 v42, v24  }
0x114: {  	vm10 =	vgt.f32 v24, $0.0e+00;
	v57 =	vmax.f32 v9, v43;
	v14 =	vnsel vm12, $0x100000, v48  }
0x115: {  	v15 =	vnsel vm13, $0x100000, v50;
	v18 =	vnsel vm14, $0x100000, v18;
	v20 =	vnsel vm15, $0x100000, v20  }
0x116: {  	v17 =	vmax.f32 v56, v57;
	vm8 =	vlt.s32 v14, v15;
	vm9 =	vlt.s32 v18, v20  }
0x117: {  	vm11 =	veq.f32 v16, v17;
	vm12 =	veq.f32 v35, v17;
	vm13 =	veq.f32 v9, v17  }
0x118: {  	v9 =	vshll.u32 v11, $0x2;
	v11 =	vshll.u32 v13, $0x2;
	vm14 =	veq.f32 v43, v17  }
0x119: {  	v14 =	vsel vm8, v14, v15;
	v53 =	vsel vm9, v18, v20;
	v15 =	vbroadcast v55, $0x0  }
0x11a: {  	v12 =	vnsel vm11, $0x100000, v12;
	v9 =	vor.u32 $0x2, v9;
	v11 =	vor.u32 $0x3, v11  }
0x11b: {  	v10 =	vnsel vm12, $0x100000, v10;
	v9 =	vnsel vm13, $0x100000, v9;
	v11 =	vnsel vm14, $0x100000, v11  }
0x11c: {  	vm0 =	vlt.s32 v14, v53;
	vm1 =	vlt.s32 v12, v10;
	vm2 =	vlt.s32 v9, v11  }
0x11d: {  	v14 =	vsel vm0, v14, v53;
	v10 =	vsel vm1, v12, v10;
	v9 =	vsel vm2, v9, v11  }
0x11e: {  	v59 =	vshll.u32 v14, $0x7;
	v11 =	vor.u32 v58, v15;
	vm1 =	vlt.s32 v10, v9  }
0x11f: {  	v61 =	vor.u32 v60, v59;
	v9 =	vsel vm1, v10, v9;
	v10 =	vor.u32 $0x1800, v1  }
0x120: {  	s19 =	sadd.s32 $0x1, s19;
	vm15 =	vgt.f32 v17, $0.0e+00;
	v10 =	vor.u32 v10, v15;
	v62 =	vshll.u32 v9, $0x7  }
0x121: {  	p1 =	sne.s32 s19, $0x4;
	v14 =	vadd.s32 $0x1, v14;
	v13 =	vor.u32 v63, v62  }
.Ltmp4:
0x122: {  	v14 =	vnsel vm10, $0x0, v14;
	(pc) =	sbr.rel @p1 .LBB2_9-.Ltmp4, $4  }
0x123: {  	v9 =	vadd.s32 $0x1, v9;
	[tilespmem:v11+s2+$0x0] =	vst.idx.msk $0xffff, v14  }
0x124: {  	v9 =	vnsel vm15, $0x0, v9;
	[tilespmem:v61+s0+$0x0] =	vst.idx.msk vm10, v4  }
0x125: {  	[tilespmem:v10+s2+$0x0] =	vst.idx.msk $0xffff, v9  }
0x126: {  	s13 =	sadd.s32 $0x3200, s13;
	v7 =	vadd.f32 v24, v7;
	v8 =	vadd.f32 v17, v8;
	[tilespmem:v13+s0+$0x0] =	vst.idx.msk vm15, v4  }
0x127: {  	s10 =	sadd.s32 $0x1, s10  }
0x128: {  	p1 =	sne.s32 s10, $0x19  }
.Ltmp5:
0x129: {  	_ = 	snop;
	(pc) =	sbr.rel @p1 .LBB2_4-.Ltmp5, $3  }
0x12a: {  	_ =	sdelay $0x1  }
0x12b: {  	[tilespmem:$0x1E420] =	vst v7  }
0x12c: {  	p0 =	por !p0, !p0;
	[tilespmem:$0x1E430] =	vst v8  }
0x12d: {  	v7 =	vld [tilespmem:$0x1E400];
	_ =	sdelay $0x4  }
0x12e: {  	v7 =	vsub.f32 $0.0e+00, v7;
	_ =	sdelay $0x1  }
0x12f: {  	s6 =	rddreg [dreg:$0x9];
	[tilespmem:$0x1E400] =	vst v7  }
0x130: {  	[hbm4b:s6+s3] =	stream.linear.scatter [tilespmem:s2], [sflag:$0x3], $0x800, $0x38;
	[tilespmem:$0x1E480] =	vst v63  }
0x131: {  	_ =	swait.ge [sflag:s31], $0x800  }
0x132: {  	[sflag:s31] =	ssyncset.done $0x0  }
0x133: {  	[sflag:s31] =	ssyncadd.s32 $0xFFFFF800  }
0x134: {  	v7 =	vld [tilespmem:$0x1E410];
	_ =	sdelay $0x4  }
0x135: {  	v7 =	vsub.f32 $0.0e+00, v7;
	_ =	sdelay $0x1  }
0x136: {  	s10 =	simm.s32 $0x1CC00;
	s13 =	rddreg [dreg:$0xa];
	[tilespmem:$0x1E410] =	vst v7  }
0x137: {  	[hbm4b:s13+s3] =	stream.linear.scatter [tilespmem:s10], [sflag:$0x3], $0x800, $0x38;
	[tilespmem:$0x1E480] =	vst v63  }
0x138: {  	_ =	swait.ge [sflag:s31], $0x800  }
0x139: {  	[sflag:s31] =	ssyncset.done $0x0  }
0x13a: {  	[sflag:s31] =	ssyncadd.s32 $0xFFFFF800  }
0x13b: {  	v7 =	vld [tilespmem:$0x1E420];
	_ =	sdelay $0x4  }
0x13c: {  	v7 =	vsub.f32 $0.0e+00, v7;
	_ =	sdelay $0x1  }
0x13d: {  	s15 =	simm.s32 $0x1D400;
	[tilespmem:$0x1E420] =	vst v7  }
0x13e: {  	[hbm4b:s22+s3] =	stream.linear.scatter [tilespmem:s15], [sflag:$0x3], $0x800, $0x38;
	[tilespmem:$0x1E480] =	vst v63  }
0x13f: {  	_ =	swait.ge [sflag:s31], $0x800  }
0x140: {  	[sflag:s31] =	ssyncset.done $0x0  }
0x141: {  	[sflag:s31] =	ssyncadd.s32 $0xFFFFF800  }
0x142: {  	v7 =	vld [tilespmem:$0x1E430];
	_ =	sdelay $0x4  }
0x143: {  	v7 =	vsub.f32 $0.0e+00, v7;
	_ =	sdelay $0x1  }
0x144: {  	s19 =	simm.s32 $0x1DC00;
	[tilespmem:$0x1E430] =	vst v7  }
0x145: {  	[hbm4b:s23+s3] =	stream.linear.scatter [tilespmem:s19], [sflag:$0x3], $0x800, $0x38;
	[tilespmem:$0x1E480] =	vst v63  }
0x146: {  	s8 =	sadd.s32 $0x1, s8;
	_ =	swait.ge [sflag:s31], $0x800  }
0x147: {  	s21 =	simm.s32 $0x1E400;
	p0 =	sne.s32 s8, s24;
	[sflag:s31] =	ssyncset.done $0x0  }
.Ltmp6:
0x148: {  	s20 =	rddreg [dreg:$0xb];
	[sflag:s31] =	ssyncadd.s32 $0xFFFFF800;
	(pc) =	sbr.rel @p0 .LBB2_1-.Ltmp6, $4  }
0x149: {  	[hbm4b:s20+s3] =	stream.linear.scatter [tilespmem:s21], [sflag:$0x3], $0x80, $0x38;
	[tilespmem:$0x1E480] =	vst v63  }
0x14a: {  	_ =	swait.ge [sflag:s31], $0x80  }
0x14b: {  	[sflag:s31] =	ssyncset.done $0x0  }
0x14c: {  	[sflag:s31] =	ssyncadd.s32 $0xFFFFFF80  }
0x14d: {  	_ =	sfence.sel $0x180000  }
0x14e: {  	[bflag:$0x0] =	sbarrier.arrive $0xFFFF  }
0x14f: {  	_ =	strace $0x90000047  }
0x150: {  	s0 =	stileid.u32;
	[bflag:$0x2] =	sbarrier.arrive $0xFFFF  }
0x151: {  	p0 =	sne.s32 s0, $0x0;
	s0 =	rddreg [dreg:$0x3]  }
0x152: {  	s0 =	sadd.s32 @!p0 $0x100000, s0  }
0x153: {  	[sflag:s0] =	ssyncadd.tile.s32 @!p0 $0x1;
	_ =	shalt  }
.Lfunc_end2:
_tile_overlayer_lowered:
.L_overlay_start_2:
0x154: {  	(tag) =	ssettag $0x2  }
0x155: {  	s0 =	rddreg [dreg:$0x0];
	s2 =	stileid.u32  }
0x156: {  	s1 =	rddreg [dreg:$0x1];
	p0 =	sne.s32 s2, $0x0  }
0x157: {  	s3 =	rddreg [dreg:$0x2];
	[bflag:$0x3] =	sbarrier.arrive $0xFFFF;
	s2 =	simm.s32 @!p0 $0x1C03  }
0x158: {  	[timem:s3], [sflag:s2] =	dma.local @!p0 [hbm:s0], s1  }
0x159: {  	s0 =	simm.s32 @!p0 $0x3  }
0x15a: {  	_ =	swait.ge @!p0 [sflag:s0], s1  }
0x15b: {  	s1 =	ssub.s32 @!p0 $0x0, s1;
	[sflag:s0] =	ssyncset.done @!p0 $0x0  }
0x15c: {  	[sflag:s0] =	ssyncadd.s32 @!p0 s1  }
0x15d: {  	[bflag:$0x3] =	sbarrier.arrive $0xFFFF  }
0x15e: {  	_ =	shalt  }

</sc_bundles>
